<compile_context>
chip_gen: v7x
topology: tpu7x:2x2x1
jax: 0.10.2.dev20260603
libtpu: 0.0.44.dev20260713+nightly
codegen_flags: <defaults>
</compile_context>

<pallas_src>
import jax
import jax.numpy as jnp
from jax import lax
from jax.experimental import pallas as pl
from jax.experimental.pallas import tpu as pltpu
from jax.experimental.pallas import tpu_sc as plsc

VOCAB = 100000
VOCAB_PAD = 114688
D = 64
C = 2
B = 4096
L = 50

NC, NS = 2, 16
NW = NC * NS
BAGS_PER_TILE = B // NW
GROUPS = BAGS_PER_TILE // 16

PROJ_BLK = 16384


def _proj_body(b_ref, w_ref, t_ref, o_ref):
    q = jnp.dot(w_ref[...], t_ref[...], preferred_element_type=jnp.float32)
    u0 = lax.bitcast_convert_type(q[0:1, :] + b_ref[0], jnp.int32)
    u1 = lax.bitcast_convert_type(q[1:2, :] + b_ref[1], jnp.int32)
    r0 = (u0 + 0x7FFF + ((u0 >> 16) & 1)) & jnp.int32(-65536)
    r1 = ((u1 + 0x7FFF + ((u1 >> 16) & 1)) >> 16) & jnp.int32(0xFFFF)
    o_ref[0:1, :] = lax.bitcast_convert_type(r0 | r1, jnp.float32)


def _project(table_t, w, b):
    return pl.pallas_call(
        _proj_body,
        grid=(VOCAB_PAD // PROJ_BLK,),
        in_specs=[
            pl.BlockSpec(memory_space=pltpu.SMEM),
            pl.BlockSpec((C, D), lambda i: (0, 0)),
            pl.BlockSpec((D, PROJ_BLK), lambda i: (0, i)),
        ],
        out_specs=pl.BlockSpec((8, PROJ_BLK), lambda i: (0, i)),
        out_shape=jax.ShapeDtypeStruct((8, VOCAB_PAD), jnp.float32),
    )(b, w, table_t)


HALF = VOCAB_PAD // 2


def _sc_body(pt_hbm, idx_hbm, out_hbm,
             ptab_sh, ptab_v, idxt_v, out_v, sem):
    sid = lax.axis_index("s")
    wid = sid * NC + lax.axis_index("c")
    base = wid * BAGS_PER_TILE

    @pl.when(sid == 0)
    def _():
        pltpu.sync_copy(pt_hbm.at[0, pl.ds(0, HALF)], ptab_sh.at[pl.ds(0, HALF)])

    @pl.when(sid == 1)
    def _():
        pltpu.sync_copy(pt_hbm.at[0, pl.ds(HALF, HALF)],
                        ptab_sh.at[pl.ds(HALF, HALF)])

    pltpu.sync_copy(idx_hbm.at[:, pl.ds(base, BAGS_PER_TILE)], idxt_v)
    plsc.subcore_barrier()
    pltpu.sync_copy(ptab_sh, ptab_v)

    lanes = lax.iota(jnp.int32, 16)

    for g in range(GROUPS):
        def body(l, accs):
            a0, a1 = accs
            ids = idxt_v[l, pl.ds(16 * g, 16)]
            u = plsc.bitcast(plsc.load_gather(ptab_v, [ids]), jnp.int32)
            hi = plsc.bitcast(u & jnp.int32(-65536), jnp.float32)
            lo = plsc.bitcast(u << 16, jnp.float32)
            return (a0 + hi, a1 + lo)

        acc0, acc1 = lax.fori_loop(
            0, L, body,
            (jnp.zeros((16,), jnp.float32), jnp.zeros((16,), jnp.float32)),
            unroll=10)
        c0 = acc0 * (1.0 / L)
        c1 = acc1 * (1.0 / L)
        pos = lanes * 2 + (32 * g)
        plsc.store_scatter(out_v, [pos], c0)
        plsc.store_scatter(out_v, [pos + 1], c1)

    pltpu.sync_copy(out_v, out_hbm.at[pl.ds(base * C, BAGS_PER_TILE * C)])


@jax.jit
def _run(text, table, fc_w, fc_b):
    packed = _project(table.T, fc_w, fc_b)
    idx_t = text.T

    mesh = plsc.VectorSubcoreMesh(core_axis_name="c", subcore_axis_name="s",
                                  num_cores=NC, num_subcores=NS)
    out_flat = pl.kernel(
        _sc_body,
        out_type=jax.ShapeDtypeStruct((B * C,), jnp.float32),
        mesh=mesh,
        compiler_params=pltpu.CompilerParams(use_tc_tiling_on_sc=True,
                                             needs_layout_passes=False),
        scratch_types=[
            pltpu.VMEM_SHARED((VOCAB_PAD,), jnp.float32),
            pltpu.VMEM((VOCAB_PAD,), jnp.float32),
            pltpu.VMEM((L, BAGS_PER_TILE), jnp.int32),
            pltpu.VMEM((BAGS_PER_TILE * C,), jnp.float32),
            pltpu.SemaphoreType.DMA,
        ],
    )(packed, idx_t)
    return out_flat.reshape(B, C)


def kernel(text, table, fc_w, fc_b):
    return _run(text, table, fc_w, fc_b)

# --- scband reference (transcript-rebuilt; emitter-appended) ---
"""Pipeline reference for scband-embedding-bag-classifier-68736656605364 (READ-ONLY COPY).

The authoritative reference and input builder live on the scoring server;
editing this copy changes nothing except your own understanding.
"""

import jax, jax.numpy as jnp
import numpy as np

VOCAB = 100000
EMBED_DIM = 64
NUM_CLASSES = 2
BATCH = 4096
SEQ = 50

def setup_inputs(seed: int = 0) -> dict:
    key = jax.random.key(seed)
    k1, k2, k3 = jax.random.split(key, 3)
    text = jax.random.randint(k1, (BATCH, SEQ), 0, VOCAB, dtype=jnp.int64 if jax.config.jax_enable_x64 else jnp.int32)
    # learned parameters
    table = jax.random.normal(k2, (VOCAB, EMBED_DIM), dtype=jnp.float32)
    fc_w = jax.random.normal(k3, (NUM_CLASSES, EMBED_DIM), dtype=jnp.float32) * 0.05
    fc_b = jnp.zeros((NUM_CLASSES,), dtype=jnp.float32)
    return {"text": text, "table": table, "fc_w": fc_w, "fc_b": fc_b}


def reference(text, table, fc_w, fc_b):
    # nn.EmbeddingBag(mode='mean') with 2D input: gather then mean over bag dim
    embedded = jnp.take(table, text, axis=0)          # [B, L, D]
    pooled = jnp.mean(embedded, axis=1)               # [B, D]
    # Dropout is identity at inference (eval mode); kept as identity here.
    logits = pooled @ fc_w.T + fc_b                   # [B, num_classes]
    return logits

if __name__ == "__main__":
    import jax
    _d = setup_inputs()
    print(jax.jit(kernel)(*tuple(_d.values())))

</pallas_src>

<mosaic_0001>
#map = affine_map<(d0, d1) -> (0, 0)>
#map1 = affine_map<(d0, d1) -> (0)>
module attributes {stable_mosaic.version = 14 : i64} {
  func.func @_sc_body(%arg0: i32, %arg1: i32, %arg2: memref<8x114688xf32, #tpu.memory_space<hbm>>, %arg3: memref<50x4096xi32, #tpu.memory_space<hbm>>, %arg4: memref<8192xf32, #tpu.memory_space<hbm>>, %arg5: memref<114688xf32, #tpu.memory_space<vmem_shared>>, %arg6: memref<114688xf32, #tpu.memory_space<vmem>>, %arg7: memref<50x128xi32, #tpu.memory_space<vmem>>, %arg8: memref<256xf32, #tpu.memory_space<vmem>>, %arg9: memref<!tpu.dma_semaphore, #tpu.memory_space<semaphore_mem>>) attributes {dimension_semantics = [#tpu.dimension_semantics<core_parallel>, #tpu.dimension_semantics<subcore_parallel>], iteration_bounds = array<i64: 2, 16>, scalar_prefetch = 0 : i64, scratch_operands = 5 : i64, tpu.core_type = #tpu.core_type<sc_vector_subcore>, window_params = [{transform_indices = #map}, {transform_indices = #map}, {transform_indices = #map1}]} {
    %mul3A = arith.constant 2 : i32
    %mul3A_0 = arith.muli %arg1, %mul3A : i32
    %add3A = arith.addi %mul3A_0, %arg0 : i32
    %mul3A_1 = arith.constant 128 : i32
    %mul3A_2 = arith.muli %add3A, %mul3A_1 : i32
    %eq3A = arith.constant 0 : i32
    %eq3A_3 = arith.cmpi eq, %arg1, %eq3A : i32
    %convert_element_type3A = arith.extui %eq3A_3 : i1 to i32
    %cond3A = arith.constant 0 : i32
    %cond3A_4 = arith.cmpi ne, %convert_element_type3A, %cond3A : i32
    scf.if %cond3A_4 {
      %run_scoped3A = arith.constant 0 : i32
      "tpu.region"() ({
        %run_scoped3A_210 = tpu.sem_alloc : memref<!tpu.dma_semaphore, #tpu.memory_space<semaphore_mem>>
        %dma_start3A = arith.constant 0 : i32
        %dma_start3A_211 = tpu.memref_slice %arg5[%dma_start3A] : memref<114688xf32, #tpu.memory_space<vmem_shared>> -> memref<57344xf32, #tpu.memory_space<vmem_shared>>
        %dma_start3A_212 = arith.constant 0 : i32
        %dma_start3A_213 = tpu.memref_slice %arg2[%run_scoped3A, %dma_start3A_212] : memref<8x114688xf32, #tpu.memory_space<hbm>> -> memref<1x57344xf32, #tpu.memory_space<hbm>>
        %dma_start3A_214 = tpu.memref_squeeze %dma_start3A_213 : memref<1x57344xf32, #tpu.memory_space<hbm>> -> memref<57344xf32, #tpu.memory_space<hbm>>
        tpu.enqueue_dma source(%dma_start3A_214 : memref<57344xf32, #tpu.memory_space<hbm>>) target(%dma_start3A_211 : memref<57344xf32, #tpu.memory_space<vmem_shared>>) target_semaphore(%run_scoped3A_210 : memref<!tpu.dma_semaphore, #tpu.memory_space<semaphore_mem>>)
        %dma_wait3A = arith.constant 0 : i32
        %dma_wait3A_215 = tpu.memref_slice %arg5[%dma_wait3A] : memref<114688xf32, #tpu.memory_space<vmem_shared>> -> memref<57344xf32, #tpu.memory_space<vmem_shared>>
        %dma_wait3A_216 = arith.constant 0 : i32
        %dma_wait3A_217 = tpu.memref_slice %arg2[%run_scoped3A, %dma_wait3A_216] : memref<8x114688xf32, #tpu.memory_space<hbm>> -> memref<1x57344xf32, #tpu.memory_space<hbm>>
        %dma_wait3A_218 = tpu.memref_squeeze %dma_wait3A_217 : memref<1x57344xf32, #tpu.memory_space<hbm>> -> memref<57344xf32, #tpu.memory_space<hbm>>
        tpu.wait_dma2 semaphore(%run_scoped3A_210 : memref<!tpu.dma_semaphore, #tpu.memory_space<semaphore_mem>>) src(%dma_wait3A_218 : memref<57344xf32, #tpu.memory_space<hbm>>) dst(%dma_wait3A_215 : memref<57344xf32, #tpu.memory_space<vmem_shared>>)
        tpu.yield
      }) : () -> ()
    } else {
    }
    %eq3A_5 = arith.constant 1 : i32
    %eq3A_6 = arith.cmpi eq, %arg1, %eq3A_5 : i32
    %convert_element_type3A_7 = arith.extui %eq3A_6 : i1 to i32
    %cond3A_8 = arith.constant 0 : i32
    %cond3A_9 = arith.cmpi ne, %convert_element_type3A_7, %cond3A_8 : i32
    scf.if %cond3A_9 {
      %run_scoped3A = arith.constant 0 : i32
      "tpu.region"() ({
        %run_scoped3A_210 = tpu.sem_alloc : memref<!tpu.dma_semaphore, #tpu.memory_space<semaphore_mem>>
        %dma_start3A = arith.constant 57344 : i32
        %dma_start3A_211 = tpu.memref_slice %arg5[%dma_start3A] : memref<114688xf32, #tpu.memory_space<vmem_shared>> -> memref<57344xf32, #tpu.memory_space<vmem_shared>>
        %dma_start3A_212 = arith.constant 57344 : i32
        %dma_start3A_213 = tpu.memref_slice %arg2[%run_scoped3A, %dma_start3A_212] : memref<8x114688xf32, #tpu.memory_space<hbm>> -> memref<1x57344xf32, #tpu.memory_space<hbm>>
        %dma_start3A_214 = tpu.memref_squeeze %dma_start3A_213 : memref<1x57344xf32, #tpu.memory_space<hbm>> -> memref<57344xf32, #tpu.memory_space<hbm>>
        tpu.enqueue_dma source(%dma_start3A_214 : memref<57344xf32, #tpu.memory_space<hbm>>) target(%dma_start3A_211 : memref<57344xf32, #tpu.memory_space<vmem_shared>>) target_semaphore(%run_scoped3A_210 : memref<!tpu.dma_semaphore, #tpu.memory_space<semaphore_mem>>)
        %dma_wait3A = arith.constant 57344 : i32
        %dma_wait3A_215 = tpu.memref_slice %arg5[%dma_wait3A] : memref<114688xf32, #tpu.memory_space<vmem_shared>> -> memref<57344xf32, #tpu.memory_space<vmem_shared>>
        %dma_wait3A_216 = arith.constant 57344 : i32
        %dma_wait3A_217 = tpu.memref_slice %arg2[%run_scoped3A, %dma_wait3A_216] : memref<8x114688xf32, #tpu.memory_space<hbm>> -> memref<1x57344xf32, #tpu.memory_space<hbm>>
        %dma_wait3A_218 = tpu.memref_squeeze %dma_wait3A_217 : memref<1x57344xf32, #tpu.memory_space<hbm>> -> memref<57344xf32, #tpu.memory_space<hbm>>
        tpu.wait_dma2 semaphore(%run_scoped3A_210 : memref<!tpu.dma_semaphore, #tpu.memory_space<semaphore_mem>>) src(%dma_wait3A_218 : memref<57344xf32, #tpu.memory_space<hbm>>) dst(%dma_wait3A_215 : memref<57344xf32, #tpu.memory_space<vmem_shared>>)
        tpu.yield
      }) : () -> ()
    } else {
    }
    "tpu.region"() ({
      %run_scoped3A = tpu.sem_alloc : memref<!tpu.dma_semaphore, #tpu.memory_space<semaphore_mem>>
      %dma_start3A = arith.constant 0 : i32
      %dma_start3A_210 = tpu.memref_slice %arg3[%dma_start3A, %mul3A_2] : memref<50x4096xi32, #tpu.memory_space<hbm>> -> memref<50x128xi32, #tpu.memory_space<hbm>>
      %dma_start3A_211 = arith.constant 0 : i32
      %dma_start3A_212 = tpu.memref_slice %arg3[%dma_start3A_211, %mul3A_2] : memref<50x4096xi32, #tpu.memory_space<hbm>> -> memref<50x128xi32, #tpu.memory_space<hbm>>
      tpu.enqueue_dma source(%dma_start3A_212 : memref<50x128xi32, #tpu.memory_space<hbm>>) target(%arg7 : memref<50x128xi32, #tpu.memory_space<vmem>>) target_semaphore(%run_scoped3A : memref<!tpu.dma_semaphore, #tpu.memory_space<semaphore_mem>>)
      %dma_wait3A = arith.constant 0 : i32
      %dma_wait3A_213 = tpu.memref_slice %arg3[%dma_wait3A, %mul3A_2] : memref<50x4096xi32, #tpu.memory_space<hbm>> -> memref<50x128xi32, #tpu.memory_space<hbm>>
      %dma_wait3A_214 = arith.constant 0 : i32
      %dma_wait3A_215 = tpu.memref_slice %arg3[%dma_wait3A_214, %mul3A_2] : memref<50x4096xi32, #tpu.memory_space<hbm>> -> memref<50x128xi32, #tpu.memory_space<hbm>>
      tpu.wait_dma2 semaphore(%run_scoped3A : memref<!tpu.dma_semaphore, #tpu.memory_space<semaphore_mem>>) src(%dma_wait3A_215 : memref<50x128xi32, #tpu.memory_space<hbm>>) dst(%arg7 : memref<50x128xi32, #tpu.memory_space<vmem>>)
      tpu.yield
    }) : () -> ()
    %barrier3A = arith.constant 0 : index
    tpu.barrier barrier_id(%barrier3A)
    "tpu.region"() ({
      %run_scoped3A = tpu.sem_alloc : memref<!tpu.dma_semaphore, #tpu.memory_space<semaphore_mem>>
      tpu.enqueue_dma source(%arg5 : memref<114688xf32, #tpu.memory_space<vmem_shared>>) target(%arg6 : memref<114688xf32, #tpu.memory_space<vmem>>) target_semaphore(%run_scoped3A : memref<!tpu.dma_semaphore, #tpu.memory_space<semaphore_mem>>)
      tpu.wait_dma2 semaphore(%run_scoped3A : memref<!tpu.dma_semaphore, #tpu.memory_space<semaphore_mem>>) src(%arg5 : memref<114688xf32, #tpu.memory_space<vmem_shared>>) dst(%arg6 : memref<114688xf32, #tpu.memory_space<vmem>>)
      tpu.yield
    }) : () -> ()
    %iota3A = tpu.iota {dimensions = array<i32: 0>} : vector<16xi32>
    %broadcast_in_dim3A = arith.constant 0.000000e+00 : f32
    %broadcast_in_dim3A_10 = vector.broadcast %broadcast_in_dim3A : f32 to vector<16xf32>
    %broadcast_in_dim3A_11 = arith.constant 0.000000e+00 : f32
    %broadcast_in_dim3A_12 = vector.broadcast %broadcast_in_dim3A_11 : f32 to vector<16xf32>
    %scan3A = arith.constant 0 : i32
    %scan3A_13 = arith.constant 50 : i32
    %scan3A_14 = arith.addi %scan3A, %scan3A_13 : i32
    %scan3A_15 = arith.constant 10 : i32
    %scan3A_16:2 = scf.for %scan3A_210 = %scan3A to %scan3A_14 step %scan3A_15 iter_args(%scan3A_211 = %broadcast_in_dim3A_10, %scan3A_212 = %broadcast_in_dim3A_12) -> (vector<16xf32>, vector<16xf32>)  : i32 {
      %get3A = arith.index_cast %scan3A_210 : i32 to index
      %get3A_213 = arith.constant 0 : index
      %get3A_214 = tpu.vector_load %arg7[%get3A, %get3A_213] {strides = array<i32>} : memref<50x128xi32, #tpu.memory_space<vmem>>, vector<16xi32>,
      %gather3A = tpu.vector_load_idx %arg6[%get3A_214] : memref<114688xf32, #tpu.memory_space<vmem>>[vector<16xi32>], vector<16xf32>,
      %bitcast3A = vector.bitcast %gather3A : vector<16xf32> to vector<16xi32>
      %and3A = arith.constant -65536 : i32
      %and3A_215 = vector.broadcast %and3A : i32 to vector<16xi32>
      %and3A_216 = arith.andi %bitcast3A, %and3A_215 : vector<16xi32>
      %bitcast3A_217 = vector.bitcast %and3A_216 : vector<16xi32> to vector<16xf32>
      %shift_left3A = arith.constant 16 : i32
      %shift_left3A_218 = vector.broadcast %shift_left3A : i32 to vector<16xi32>
      %shift_left3A_219 = arith.shli %bitcast3A, %shift_left3A_218 : vector<16xi32>
      %bitcast3A_220 = vector.bitcast %shift_left3A_219 : vector<16xi32> to vector<16xf32>
      %add3A_221 = arith.addf %scan3A_211, %bitcast3A_217 : vector<16xf32>
      %add3A_222 = arith.addf %scan3A_212, %bitcast3A_220 : vector<16xf32>
      %scan3A_223 = arith.constant 1 : i32
      %scan3A_224 = arith.addi %scan3A_210, %scan3A_223 : i32
      %get3A_225 = arith.index_cast %scan3A_224 : i32 to index
      %get3A_226 = arith.constant 0 : index
      %get3A_227 = tpu.vector_load %arg7[%get3A_225, %get3A_226] {strides = array<i32>} : memref<50x128xi32, #tpu.memory_space<vmem>>, vector<16xi32>,
      %gather3A_228 = tpu.vector_load_idx %arg6[%get3A_227] : memref<114688xf32, #tpu.memory_space<vmem>>[vector<16xi32>], vector<16xf32>,
      %bitcast3A_229 = vector.bitcast %gather3A_228 : vector<16xf32> to vector<16xi32>
      %and3A_230 = arith.constant -65536 : i32
      %and3A_231 = vector.broadcast %and3A_230 : i32 to vector<16xi32>
      %and3A_232 = arith.andi %bitcast3A_229, %and3A_231 : vector<16xi32>
      %bitcast3A_233 = vector.bitcast %and3A_232 : vector<16xi32> to vector<16xf32>
      %shift_left3A_234 = arith.constant 16 : i32
      %shift_left3A_235 = vector.broadcast %shift_left3A_234 : i32 to vector<16xi32>
      %shift_left3A_236 = arith.shli %bitcast3A_229, %shift_left3A_235 : vector<16xi32>
      %bitcast3A_237 = vector.bitcast %shift_left3A_236 : vector<16xi32> to vector<16xf32>
      %add3A_238 = arith.addf %add3A_221, %bitcast3A_233 : vector<16xf32>
      %add3A_239 = arith.addf %add3A_222, %bitcast3A_237 : vector<16xf32>
      %scan3A_240 = arith.constant 2 : i32
      %scan3A_241 = arith.addi %scan3A_210, %scan3A_240 : i32
      %get3A_242 = arith.index_cast %scan3A_241 : i32 to index
      %get3A_243 = arith.constant 0 : index
      %get3A_244 = tpu.vector_load %arg7[%get3A_242, %get3A_243] {strides = array<i32>} : memref<50x128xi32, #tpu.memory_space<vmem>>, vector<16xi32>,
      %gather3A_245 = tpu.vector_load_idx %arg6[%get3A_244] : memref<114688xf32, #tpu.memory_space<vmem>>[vector<16xi32>], vector<16xf32>,
      %bitcast3A_246 = vector.bitcast %gather3A_245 : vector<16xf32> to vector<16xi32>
      %and3A_247 = arith.constant -65536 : i32
      %and3A_248 = vector.broadcast %and3A_247 : i32 to vector<16xi32>
      %and3A_249 = arith.andi %bitcast3A_246, %and3A_248 : vector<16xi32>
      %bitcast3A_250 = vector.bitcast %and3A_249 : vector<16xi32> to vector<16xf32>
      %shift_left3A_251 = arith.constant 16 : i32
      %shift_left3A_252 = vector.broadcast %shift_left3A_251 : i32 to vector<16xi32>
      %shift_left3A_253 = arith.shli %bitcast3A_246, %shift_left3A_252 : vector<16xi32>
      %bitcast3A_254 = vector.bitcast %shift_left3A_253 : vector<16xi32> to vector<16xf32>
      %add3A_255 = arith.addf %add3A_238, %bitcast3A_250 : vector<16xf32>
      %add3A_256 = arith.addf %add3A_239, %bitcast3A_254 : vector<16xf32>
      %scan3A_257 = arith.constant 3 : i32
      %scan3A_258 = arith.addi %scan3A_210, %scan3A_257 : i32
      %get3A_259 = arith.index_cast %scan3A_258 : i32 to index
      %get3A_260 = arith.constant 0 : index
      %get3A_261 = tpu.vector_load %arg7[%get3A_259, %get3A_260] {strides = array<i32>} : memref<50x128xi32, #tpu.memory_space<vmem>>, vector<16xi32>,
      %gather3A_262 = tpu.vector_load_idx %arg6[%get3A_261] : memref<114688xf32, #tpu.memory_space<vmem>>[vector<16xi32>], vector<16xf32>,
      %bitcast3A_263 = vector.bitcast %gather3A_262 : vector<16xf32> to vector<16xi32>
      %and3A_264 = arith.constant -65536 : i32
      %and3A_265 = vector.broadcast %and3A_264 : i32 to vector<16xi32>
      %and3A_266 = arith.andi %bitcast3A_263, %and3A_265 : vector<16xi32>
      %bitcast3A_267 = vector.bitcast %and3A_266 : vector<16xi32> to vector<16xf32>
      %shift_left3A_268 = arith.constant 16 : i32
      %shift_left3A_269 = vector.broadcast %shift_left3A_268 : i32 to vector<16xi32>
      %shift_left3A_270 = arith.shli %bitcast3A_263, %shift_left3A_269 : vector<16xi32>
      %bitcast3A_271 = vector.bitcast %shift_left3A_270 : vector<16xi32> to vector<16xf32>
      %add3A_272 = arith.addf %add3A_255, %bitcast3A_267 : vector<16xf32>
      %add3A_273 = arith.addf %add3A_256, %bitcast3A_271 : vector<16xf32>
      %scan3A_274 = arith.constant 4 : i32
      %scan3A_275 = arith.addi %scan3A_210, %scan3A_274 : i32
      %get3A_276 = arith.index_cast %scan3A_275 : i32 to index
      %get3A_277 = arith.constant 0 : index
      %get3A_278 = tpu.vector_load %arg7[%get3A_276, %get3A_277] {strides = array<i32>} : memref<50x128xi32, #tpu.memory_space<vmem>>, vector<16xi32>,
      %gather3A_279 = tpu.vector_load_idx %arg6[%get3A_278] : memref<114688xf32, #tpu.memory_space<vmem>>[vector<16xi32>], vector<16xf32>,
      %bitcast3A_280 = vector.bitcast %gather3A_279 : vector<16xf32> to vector<16xi32>
      %and3A_281 = arith.constant -65536 : i32
      %and3A_282 = vector.broadcast %and3A_281 : i32 to vector<16xi32>
      %and3A_283 = arith.andi %bitcast3A_280, %and3A_282 : vector<16xi32>
      %bitcast3A_284 = vector.bitcast %and3A_283 : vector<16xi32> to vector<16xf32>
      %shift_left3A_285 = arith.constant 16 : i32
      %shift_left3A_286 = vector.broadcast %shift_left3A_285 : i32 to vector<16xi32>
      %shift_left3A_287 = arith.shli %bitcast3A_280, %shift_left3A_286 : vector<16xi32>
      %bitcast3A_288 = vector.bitcast %shift_left3A_287 : vector<16xi32> to vector<16xf32>
      %add3A_289 = arith.addf %add3A_272, %bitcast3A_284 : vector<16xf32>
      %add3A_290 = arith.addf %add3A_273, %bitcast3A_288 : vector<16xf32>
      %scan3A_291 = arith.constant 5 : i32
      %scan3A_292 = arith.addi %scan3A_210, %scan3A_291 : i32
      %get3A_293 = arith.index_cast %scan3A_292 : i32 to index
      %get3A_294 = arith.constant 0 : index
      %get3A_295 = tpu.vector_load %arg7[%get3A_293, %get3A_294] {strides = array<i32>} : memref<50x128xi32, #tpu.memory_space<vmem>>, vector<16xi32>,
      %gather3A_296 = tpu.vector_load_idx %arg6[%get3A_295] : memref<114688xf32, #tpu.memory_space<vmem>>[vector<16xi32>], vector<16xf32>,
      %bitcast3A_297 = vector.bitcast %gather3A_296 : vector<16xf32> to vector<16xi32>
      %and3A_298 = arith.constant -65536 : i32
      %and3A_299 = vector.broadcast %and3A_298 : i32 to vector<16xi32>
      %and3A_300 = arith.andi %bitcast3A_297, %and3A_299 : vector<16xi32>
      %bitcast3A_301 = vector.bitcast %and3A_300 : vector<16xi32> to vector<16xf32>
      %shift_left3A_302 = arith.constant 16 : i32
      %shift_left3A_303 = vector.broadcast %shift_left3A_302 : i32 to vector<16xi32>
      %shift_left3A_304 = arith.shli %bitcast3A_297, %shift_left3A_303 : vector<16xi32>
      %bitcast3A_305 = vector.bitcast %shift_left3A_304 : vector<16xi32> to vector<16xf32>
      %add3A_306 = arith.addf %add3A_289, %bitcast3A_301 : vector<16xf32>
      %add3A_307 = arith.addf %add3A_290, %bitcast3A_305 : vector<16xf32>
      %scan3A_308 = arith.constant 6 : i32
      %scan3A_309 = arith.addi %scan3A_210, %scan3A_308 : i32
      %get3A_310 = arith.index_cast %scan3A_309 : i32 to index
      %get3A_311 = arith.constant 0 : index
      %get3A_312 = tpu.vector_load %arg7[%get3A_310, %get3A_311] {strides = array<i32>} : memref<50x128xi32, #tpu.memory_space<vmem>>, vector<16xi32>,
      %gather3A_313 = tpu.vector_load_idx %arg6[%get3A_312] : memref<114688xf32, #tpu.memory_space<vmem>>[vector<16xi32>], vector<16xf32>,
      %bitcast3A_314 = vector.bitcast %gather3A_313 : vector<16xf32> to vector<16xi32>
      %and3A_315 = arith.constant -65536 : i32
      %and3A_316 = vector.broadcast %and3A_315 : i32 to vector<16xi32>
      %and3A_317 = arith.andi %bitcast3A_314, %and3A_316 : vector<16xi32>
      %bitcast3A_318 = vector.bitcast %and3A_317 : vector<16xi32> to vector<16xf32>
      %shift_left3A_319 = arith.constant 16 : i32
      %shift_left3A_320 = vector.broadcast %shift_left3A_319 : i32 to vector<16xi32>
      %shift_left3A_321 = arith.shli %bitcast3A_314, %shift_left3A_320 : vector<16xi32>
      %bitcast3A_322 = vector.bitcast %shift_left3A_321 : vector<16xi32> to vector<16xf32>
      %add3A_323 = arith.addf %add3A_306, %bitcast3A_318 : vector<16xf32>
      %add3A_324 = arith.addf %add3A_307, %bitcast3A_322 : vector<16xf32>
      %scan3A_325 = arith.constant 7 : i32
      %scan3A_326 = arith.addi %scan3A_210, %scan3A_325 : i32
      %get3A_327 = arith.index_cast %scan3A_326 : i32 to index
      %get3A_328 = arith.constant 0 : index
      %get3A_329 = tpu.vector_load %arg7[%get3A_327, %get3A_328] {strides = array<i32>} : memref<50x128xi32, #tpu.memory_space<vmem>>, vector<16xi32>,
      %gather3A_330 = tpu.vector_load_idx %arg6[%get3A_329] : memref<114688xf32, #tpu.memory_space<vmem>>[vector<16xi32>], vector<16xf32>,
      %bitcast3A_331 = vector.bitcast %gather3A_330 : vector<16xf32> to vector<16xi32>
      %and3A_332 = arith.constant -65536 : i32
      %and3A_333 = vector.broadcast %and3A_332 : i32 to vector<16xi32>
      %and3A_334 = arith.andi %bitcast3A_331, %and3A_333 : vector<16xi32>
      %bitcast3A_335 = vector.bitcast %and3A_334 : vector<16xi32> to vector<16xf32>
      %shift_left3A_336 = arith.constant 16 : i32
      %shift_left3A_337 = vector.broadcast %shift_left3A_336 : i32 to vector<16xi32>
      %shift_left3A_338 = arith.shli %bitcast3A_331, %shift_left3A_337 : vector<16xi32>
      %bitcast3A_339 = vector.bitcast %shift_left3A_338 : vector<16xi32> to vector<16xf32>
      %add3A_340 = arith.addf %add3A_323, %bitcast3A_335 : vector<16xf32>
      %add3A_341 = arith.addf %add3A_324, %bitcast3A_339 : vector<16xf32>
      %scan3A_342 = arith.constant 8 : i32
      %scan3A_343 = arith.addi %scan3A_210, %scan3A_342 : i32
      %get3A_344 = arith.index_cast %scan3A_343 : i32 to index
      %get3A_345 = arith.constant 0 : index
      %get3A_346 = tpu.vector_load %arg7[%get3A_344, %get3A_345] {strides = array<i32>} : memref<50x128xi32, #tpu.memory_space<vmem>>, vector<16xi32>,
      %gather3A_347 = tpu.vector_load_idx %arg6[%get3A_346] : memref<114688xf32, #tpu.memory_space<vmem>>[vector<16xi32>], vector<16xf32>,
      %bitcast3A_348 = vector.bitcast %gather3A_347 : vector<16xf32> to vector<16xi32>
      %and3A_349 = arith.constant -65536 : i32
      %and3A_350 = vector.broadcast %and3A_349 : i32 to vector<16xi32>
      %and3A_351 = arith.andi %bitcast3A_348, %and3A_350 : vector<16xi32>
      %bitcast3A_352 = vector.bitcast %and3A_351 : vector<16xi32> to vector<16xf32>
      %shift_left3A_353 = arith.constant 16 : i32
      %shift_left3A_354 = vector.broadcast %shift_left3A_353 : i32 to vector<16xi32>
      %shift_left3A_355 = arith.shli %bitcast3A_348, %shift_left3A_354 : vector<16xi32>
      %bitcast3A_356 = vector.bitcast %shift_left3A_355 : vector<16xi32> to vector<16xf32>
      %add3A_357 = arith.addf %add3A_340, %bitcast3A_352 : vector<16xf32>
      %add3A_358 = arith.addf %add3A_341, %bitcast3A_356 : vector<16xf32>
      %scan3A_359 = arith.constant 9 : i32
      %scan3A_360 = arith.addi %scan3A_210, %scan3A_359 : i32
      %get3A_361 = arith.index_cast %scan3A_360 : i32 to index
      %get3A_362 = arith.constant 0 : index
      %get3A_363 = tpu.vector_load %arg7[%get3A_361, %get3A_362] {strides = array<i32>} : memref<50x128xi32, #tpu.memory_space<vmem>>, vector<16xi32>,
      %gather3A_364 = tpu.vector_load_idx %arg6[%get3A_363] : memref<114688xf32, #tpu.memory_space<vmem>>[vector<16xi32>], vector<16xf32>,
      %bitcast3A_365 = vector.bitcast %gather3A_364 : vector<16xf32> to vector<16xi32>
      %and3A_366 = arith.constant -65536 : i32
      %and3A_367 = vector.broadcast %and3A_366 : i32 to vector<16xi32>
      %and3A_368 = arith.andi %bitcast3A_365, %and3A_367 : vector<16xi32>
      %bitcast3A_369 = vector.bitcast %and3A_368 : vector<16xi32> to vector<16xf32>
      %shift_left3A_370 = arith.constant 16 : i32
      %shift_left3A_371 = vector.broadcast %shift_left3A_370 : i32 to vector<16xi32>
      %shift_left3A_372 = arith.shli %bitcast3A_365, %shift_left3A_371 : vector<16xi32>
      %bitcast3A_373 = vector.bitcast %shift_left3A_372 : vector<16xi32> to vector<16xf32>
      %add3A_374 = arith.addf %add3A_357, %bitcast3A_369 : vector<16xf32>
      %add3A_375 = arith.addf %add3A_358, %bitcast3A_373 : vector<16xf32>
      scf.yield %add3A_374, %add3A_375 : vector<16xf32>, vector<16xf32>
    }
    %scan3A_17 = arith.constant 50 : i32
    %mul3A_18 = arith.constant 2.000000e-02 : f32
    %mul3A_19 = vector.broadcast %mul3A_18 : f32 to vector<16xf32>
    %mul3A_20 = arith.mulf %scan3A_16#0, %mul3A_19 : vector<16xf32>
    %mul3A_21 = arith.constant 2.000000e-02 : f32
    %mul3A_22 = vector.broadcast %mul3A_21 : f32 to vector<16xf32>
    %mul3A_23 = arith.mulf %scan3A_16#1, %mul3A_22 : vector<16xf32>
    %mul3A_24 = arith.constant 2 : i32
    %mul3A_25 = vector.broadcast %mul3A_24 : i32 to vector<16xi32>
    %mul3A_26 = arith.muli %iota3A, %mul3A_25 : vector<16xi32>
    %add3A_27 = arith.constant 0 : i32
    %add3A_28 = vector.broadcast %add3A_27 : i32 to vector<16xi32>
    %add3A_29 = arith.addi %mul3A_26, %add3A_28 : vector<16xi32>
    tpu.vector_store_idx %arg8[%add3A_29], %mul3A_20 : memref<256xf32, #tpu.memory_space<vmem>>[vector<16xi32>], vector<16xf32>,
    %add3A_30 = arith.constant 1 : i32
    %add3A_31 = vector.broadcast %add3A_30 : i32 to vector<16xi32>
    %add3A_32 = arith.addi %add3A_29, %add3A_31 : vector<16xi32>
    tpu.vector_store_idx %arg8[%add3A_32], %mul3A_23 : memref<256xf32, #tpu.memory_space<vmem>>[vector<16xi32>], vector<16xf32>,
    %broadcast_in_dim3A_33 = arith.constant 0.000000e+00 : f32
    %broadcast_in_dim3A_34 = vector.broadcast %broadcast_in_dim3A_33 : f32 to vector<16xf32>
    %broadcast_in_dim3A_35 = arith.constant 0.000000e+00 : f32
    %broadcast_in_dim3A_36 = vector.broadcast %broadcast_in_dim3A_35 : f32 to vector<16xf32>
    %scan3A_37 = arith.constant 0 : i32
    %scan3A_38 = arith.constant 50 : i32
    %scan3A_39 = arith.addi %scan3A_37, %scan3A_38 : i32
    %scan3A_40 = arith.constant 10 : i32
    %scan3A_41:2 = scf.for %scan3A_210 = %scan3A_37 to %scan3A_39 step %scan3A_40 iter_args(%scan3A_211 = %broadcast_in_dim3A_34, %scan3A_212 = %broadcast_in_dim3A_36) -> (vector<16xf32>, vector<16xf32>)  : i32 {
      %get3A = arith.index_cast %scan3A_210 : i32 to index
      %get3A_213 = arith.constant 16 : index
      %get3A_214 = tpu.vector_load %arg7[%get3A, %get3A_213] {strides = array<i32>} : memref<50x128xi32, #tpu.memory_space<vmem>>, vector<16xi32>,
      %gather3A = tpu.vector_load_idx %arg6[%get3A_214] : memref<114688xf32, #tpu.memory_space<vmem>>[vector<16xi32>], vector<16xf32>,
      %bitcast3A = vector.bitcast %gather3A : vector<16xf32> to vector<16xi32>
      %and3A = arith.constant -65536 : i32
      %and3A_215 = vector.broadcast %and3A : i32 to vector<16xi32>
      %and3A_216 = arith.andi %bitcast3A, %and3A_215 : vector<16xi32>
      %bitcast3A_217 = vector.bitcast %and3A_216 : vector<16xi32> to vector<16xf32>
      %shift_left3A = arith.constant 16 : i32
      %shift_left3A_218 = vector.broadcast %shift_left3A : i32 to vector<16xi32>
      %shift_left3A_219 = arith.shli %bitcast3A, %shift_left3A_218 : vector<16xi32>
      %bitcast3A_220 = vector.bitcast %shift_left3A_219 : vector<16xi32> to vector<16xf32>
      %add3A_221 = arith.addf %scan3A_211, %bitcast3A_217 : vector<16xf32>
      %add3A_222 = arith.addf %scan3A_212, %bitcast3A_220 : vector<16xf32>
      %scan3A_223 = arith.constant 1 : i32
      %scan3A_224 = arith.addi %scan3A_210, %scan3A_223 : i32
      %get3A_225 = arith.index_cast %scan3A_224 : i32 to index
      %get3A_226 = arith.constant 16 : index
      %get3A_227 = tpu.vector_load %arg7[%get3A_225, %get3A_226] {strides = array<i32>} : memref<50x128xi32, #tpu.memory_space<vmem>>, vector<16xi32>,
      %gather3A_228 = tpu.vector_load_idx %arg6[%get3A_227] : memref<114688xf32, #tpu.memory_space<vmem>>[vector<16xi32>], vector<16xf32>,
      %bitcast3A_229 = vector.bitcast %gather3A_228 : vector<16xf32> to vector<16xi32>
      %and3A_230 = arith.constant -65536 : i32
      %and3A_231 = vector.broadcast %and3A_230 : i32 to vector<16xi32>
      %and3A_232 = arith.andi %bitcast3A_229, %and3A_231 : vector<16xi32>
      %bitcast3A_233 = vector.bitcast %and3A_232 : vector<16xi32> to vector<16xf32>
      %shift_left3A_234 = arith.constant 16 : i32
      %shift_left3A_235 = vector.broadcast %shift_left3A_234 : i32 to vector<16xi32>
      %shift_left3A_236 = arith.shli %bitcast3A_229, %shift_left3A_235 : vector<16xi32>
      %bitcast3A_237 = vector.bitcast %shift_left3A_236 : vector<16xi32> to vector<16xf32>
      %add3A_238 = arith.addf %add3A_221, %bitcast3A_233 : vector<16xf32>
      %add3A_239 = arith.addf %add3A_222, %bitcast3A_237 : vector<16xf32>
      %scan3A_240 = arith.constant 2 : i32
      %scan3A_241 = arith.addi %scan3A_210, %scan3A_240 : i32
      %get3A_242 = arith.index_cast %scan3A_241 : i32 to index
      %get3A_243 = arith.constant 16 : index
      %get3A_244 = tpu.vector_load %arg7[%get3A_242, %get3A_243] {strides = array<i32>} : memref<50x128xi32, #tpu.memory_space<vmem>>, vector<16xi32>,
      %gather3A_245 = tpu.vector_load_idx %arg6[%get3A_244] : memref<114688xf32, #tpu.memory_space<vmem>>[vector<16xi32>], vector<16xf32>,
      %bitcast3A_246 = vector.bitcast %gather3A_245 : vector<16xf32> to vector<16xi32>
      %and3A_247 = arith.constant -65536 : i32
      %and3A_248 = vector.broadcast %and3A_247 : i32 to vector<16xi32>
      %and3A_249 = arith.andi %bitcast3A_246, %and3A_248 : vector<16xi32>
      %bitcast3A_250 = vector.bitcast %and3A_249 : vector<16xi32> to vector<16xf32>
      %shift_left3A_251 = arith.constant 16 : i32
      %shift_left3A_252 = vector.broadcast %shift_left3A_251 : i32 to vector<16xi32>
      %shift_left3A_253 = arith.shli %bitcast3A_246, %shift_left3A_252 : vector<16xi32>
      %bitcast3A_254 = vector.bitcast %shift_left3A_253 : vector<16xi32> to vector<16xf32>
      %add3A_255 = arith.addf %add3A_238, %bitcast3A_250 : vector<16xf32>
      %add3A_256 = arith.addf %add3A_239, %bitcast3A_254 : vector<16xf32>
      %scan3A_257 = arith.constant 3 : i32
      %scan3A_258 = arith.addi %scan3A_210, %scan3A_257 : i32
      %get3A_259 = arith.index_cast %scan3A_258 : i32 to index
      %get3A_260 = arith.constant 16 : index
      %get3A_261 = tpu.vector_load %arg7[%get3A_259, %get3A_260] {strides = array<i32>} : memref<50x128xi32, #tpu.memory_space<vmem>>, vector<16xi32>,
      %gather3A_262 = tpu.vector_load_idx %arg6[%get3A_261] : memref<114688xf32, #tpu.memory_space<vmem>>[vector<16xi32>], vector<16xf32>,
      %bitcast3A_263 = vector.bitcast %gather3A_262 : vector<16xf32> to vector<16xi32>
      %and3A_264 = arith.constant -65536 : i32
      %and3A_265 = vector.broadcast %and3A_264 : i32 to vector<16xi32>
      %and3A_266 = arith.andi %bitcast3A_263, %and3A_265 : vector<16xi32>
      %bitcast3A_267 = vector.bitcast %and3A_266 : vector<16xi32> to vector<16xf32>
      %shift_left3A_268 = arith.constant 16 : i32
      %shift_left3A_269 = vector.broadcast %shift_left3A_268 : i32 to vector<16xi32>
      %shift_left3A_270 = arith.shli %bitcast3A_263, %shift_left3A_269 : vector<16xi32>
      %bitcast3A_271 = vector.bitcast %shift_left3A_270 : vector<16xi32> to vector<16xf32>
      %add3A_272 = arith.addf %add3A_255, %bitcast3A_267 : vector<16xf32>
      %add3A_273 = arith.addf %add3A_256, %bitcast3A_271 : vector<16xf32>
      %scan3A_274 = arith.constant 4 : i32
      %scan3A_275 = arith.addi %scan3A_210, %scan3A_274 : i32
      %get3A_276 = arith.index_cast %scan3A_275 : i32 to index
      %get3A_277 = arith.constant 16 : index
      %get3A_278 = tpu.vector_load %arg7[%get3A_276, %get3A_277] {strides = array<i32>} : memref<50x128xi32, #tpu.memory_space<vmem>>, vector<16xi32>,
      %gather3A_279 = tpu.vector_load_idx %arg6[%get3A_278] : memref<114688xf32, #tpu.memory_space<vmem>>[vector<16xi32>], vector<16xf32>,
      %bitcast3A_280 = vector.bitcast %gather3A_279 : vector<16xf32> to vector<16xi32>
      %and3A_281 = arith.constant -65536 : i32
      %and3A_282 = vector.broadcast %and3A_281 : i32 to vector<16xi32>
      %and3A_283 = arith.andi %bitcast3A_280, %and3A_282 : vector<16xi32>
      %bitcast3A_284 = vector.bitcast %and3A_283 : vector<16xi32> to vector<16xf32>
      %shift_left3A_285 = arith.constant 16 : i32
      %shift_left3A_286 = vector.broadcast %shift_left3A_285 : i32 to vector<16xi32>
      %shift_left3A_287 = arith.shli %bitcast3A_280, %shift_left3A_286 : vector<16xi32>
      %bitcast3A_288 = vector.bitcast %shift_left3A_287 : vector<16xi32> to vector<16xf32>
      %add3A_289 = arith.addf %add3A_272, %bitcast3A_284 : vector<16xf32>
      %add3A_290 = arith.addf %add3A_273, %bitcast3A_288 : vector<16xf32>
      %scan3A_291 = arith.constant 5 : i32
      %scan3A_292 = arith.addi %scan3A_210, %scan3A_291 : i32
      %get3A_293 = arith.index_cast %scan3A_292 : i32 to index
      %get3A_294 = arith.constant 16 : index
      %get3A_295 = tpu.vector_load %arg7[%get3A_293, %get3A_294] {strides = array<i32>} : memref<50x128xi32, #tpu.memory_space<vmem>>, vector<16xi32>,
      %gather3A_296 = tpu.vector_load_idx %arg6[%get3A_295] : memref<114688xf32, #tpu.memory_space<vmem>>[vector<16xi32>], vector<16xf32>,
      %bitcast3A_297 = vector.bitcast %gather3A_296 : vector<16xf32> to vector<16xi32>
      %and3A_298 = arith.constant -65536 : i32
      %and3A_299 = vector.broadcast %and3A_298 : i32 to vector<16xi32>
      %and3A_300 = arith.andi %bitcast3A_297, %and3A_299 : vector<16xi32>
      %bitcast3A_301 = vector.bitcast %and3A_300 : vector<16xi32> to vector<16xf32>
      %shift_left3A_302 = arith.constant 16 : i32
      %shift_left3A_303 = vector.broadcast %shift_left3A_302 : i32 to vector<16xi32>
      %shift_left3A_304 = arith.shli %bitcast3A_297, %shift_left3A_303 : vector<16xi32>
      %bitcast3A_305 = vector.bitcast %shift_left3A_304 : vector<16xi32> to vector<16xf32>
      %add3A_306 = arith.addf %add3A_289, %bitcast3A_301 : vector<16xf32>
      %add3A_307 = arith.addf %add3A_290, %bitcast3A_305 : vector<16xf32>
      %scan3A_308 = arith.constant 6 : i32
      %scan3A_309 = arith.addi %scan3A_210, %scan3A_308 : i32
      %get3A_310 = arith.index_cast %scan3A_309 : i32 to index
      %get3A_311 = arith.constant 16 : index
      %get3A_312 = tpu.vector_load %arg7[%get3A_310, %get3A_311] {strides = array<i32>} : memref<50x128xi32, #tpu.memory_space<vmem>>, vector<16xi32>,
      %gather3A_313 = tpu.vector_load_idx %arg6[%get3A_312] : memref<114688xf32, #tpu.memory_space<vmem>>[vector<16xi32>], vector<16xf32>,
      %bitcast3A_314 = vector.bitcast %gather3A_313 : vector<16xf32> to vector<16xi32>
      %and3A_315 = arith.constant -65536 : i32
      %and3A_316 = vector.broadcast %and3A_315 : i32 to vector<16xi32>
      %and3A_317 = arith.andi %bitcast3A_314, %and3A_316 : vector<16xi32>
      %bitcast3A_318 = vector.bitcast %and3A_317 : vector<16xi32> to vector<16xf32>
      %shift_left3A_319 = arith.constant 16 : i32
      %shift_left3A_320 = vector.broadcast %shift_left3A_319 : i32 to vector<16xi32>
      %shift_left3A_321 = arith.shli %bitcast3A_314, %shift_left3A_320 : vector<16xi32>
      %bitcast3A_322 = vector.bitcast %shift_left3A_321 : vector<16xi32> to vector<16xf32>
      %add3A_323 = arith.addf %add3A_306, %bitcast3A_318 : vector<16xf32>
      %add3A_324 = arith.addf %add3A_307, %bitcast3A_322 : vector<16xf32>
      %scan3A_325 = arith.constant 7 : i32
      %scan3A_326 = arith.addi %scan3A_210, %scan3A_325 : i32
      %get3A_327 = arith.index_cast %scan3A_326 : i32 to index
      %get3A_328 = arith.constant 16 : index
      %get3A_329 = tpu.vector_load %arg7[%get3A_327, %get3A_328] {strides = array<i32>} : memref<50x128xi32, #tpu.memory_space<vmem>>, vector<16xi32>,
      %gather3A_330 = tpu.vector_load_idx %arg6[%get3A_329] : memref<114688xf32, #tpu.memory_space<vmem>>[vector<16xi32>], vector<16xf32>,
      %bitcast3A_331 = vector.bitcast %gather3A_330 : vector<16xf32> to vector<16xi32>
      %and3A_332 = arith.constant -65536 : i32
      %and3A_333 = vector.broadcast %and3A_332 : i32 to vector<16xi32>
      %and3A_334 = arith.andi %bitcast3A_331, %and3A_333 : vector<16xi32>
      %bitcast3A_335 = vector.bitcast %and3A_334 : vector<16xi32> to vector<16xf32>
      %shift_left3A_336 = arith.constant 16 : i32
      %shift_left3A_337 = vector.broadcast %shift_left3A_336 : i32 to vector<16xi32>
      %shift_left3A_338 = arith.shli %bitcast3A_331, %shift_left3A_337 : vector<16xi32>
      %bitcast3A_339 = vector.bitcast %shift_left3A_338 : vector<16xi32> to vector<16xf32>
      %add3A_340 = arith.addf %add3A_323, %bitcast3A_335 : vector<16xf32>
      %add3A_341 = arith.addf %add3A_324, %bitcast3A_339 : vector<16xf32>
      %scan3A_342 = arith.constant 8 : i32
      %scan3A_343 = arith.addi %scan3A_210, %scan3A_342 : i32
      %get3A_344 = arith.index_cast %scan3A_343 : i32 to index
      %get3A_345 = arith.constant 16 : index
      %get3A_346 = tpu.vector_load %arg7[%get3A_344, %get3A_345] {strides = array<i32>} : memref<50x128xi32, #tpu.memory_space<vmem>>, vector<16xi32>,
      %gather3A_347 = tpu.vector_load_idx %arg6[%get3A_346] : memref<114688xf32, #tpu.memory_space<vmem>>[vector<16xi32>], vector<16xf32>,
      %bitcast3A_348 = vector.bitcast %gather3A_347 : vector<16xf32> to vector<16xi32>
      %and3A_349 = arith.constant -65536 : i32
      %and3A_350 = vector.broadcast %and3A_349 : i32 to vector<16xi32>
      %and3A_351 = arith.andi %bitcast3A_348, %and3A_350 : vector<16xi32>
      %bitcast3A_352 = vector.bitcast %and3A_351 : vector<16xi32> to vector<16xf32>
      %shift_left3A_353 = arith.constant 16 : i32
      %shift_left3A_354 = vector.broadcast %shift_left3A_353 : i32 to vector<16xi32>
      %shift_left3A_355 = arith.shli %bitcast3A_348, %shift_left3A_354 : vector<16xi32>
      %bitcast3A_356 = vector.bitcast %shift_left3A_355 : vector<16xi32> to vector<16xf32>
      %add3A_357 = arith.addf %add3A_340, %bitcast3A_352 : vector<16xf32>
      %add3A_358 = arith.addf %add3A_341, %bitcast3A_356 : vector<16xf32>
      %scan3A_359 = arith.constant 9 : i32
      %scan3A_360 = arith.addi %scan3A_210, %scan3A_359 : i32
      %get3A_361 = arith.index_cast %scan3A_360 : i32 to index
      %get3A_362 = arith.constant 16 : index
      %get3A_363 = tpu.vector_load %arg7[%get3A_361, %get3A_362] {strides = array<i32>} : memref<50x128xi32, #tpu.memory_space<vmem>>, vector<16xi32>,
      %gather3A_364 = tpu.vector_load_idx %arg6[%get3A_363] : memref<114688xf32, #tpu.memory_space<vmem>>[vector<16xi32>], vector<16xf32>,
      %bitcast3A_365 = vector.bitcast %gather3A_364 : vector<16xf32> to vector<16xi32>
      %and3A_366 = arith.constant -65536 : i32
      %and3A_367 = vector.broadcast %and3A_366 : i32 to vector<16xi32>
      %and3A_368 = arith.andi %bitcast3A_365, %and3A_367 : vector<16xi32>
      %bitcast3A_369 = vector.bitcast %and3A_368 : vector<16xi32> to vector<16xf32>
      %shift_left3A_370 = arith.constant 16 : i32
      %shift_left3A_371 = vector.broadcast %shift_left3A_370 : i32 to vector<16xi32>
      %shift_left3A_372 = arith.shli %bitcast3A_365, %shift_left3A_371 : vector<16xi32>
      %bitcast3A_373 = vector.bitcast %shift_left3A_372 : vector<16xi32> to vector<16xf32>
      %add3A_374 = arith.addf %add3A_357, %bitcast3A_369 : vector<16xf32>
      %add3A_375 = arith.addf %add3A_358, %bitcast3A_373 : vector<16xf32>
      scf.yield %add3A_374, %add3A_375 : vector<16xf32>, vector<16xf32>
    }
    %scan3A_42 = arith.constant 50 : i32
    %mul3A_43 = arith.constant 2.000000e-02 : f32
    %mul3A_44 = vector.broadcast %mul3A_43 : f32 to vector<16xf32>
    %mul3A_45 = arith.mulf %scan3A_41#0, %mul3A_44 : vector<16xf32>
    %mul3A_46 = arith.constant 2.000000e-02 : f32
    %mul3A_47 = vector.broadcast %mul3A_46 : f32 to vector<16xf32>
    %mul3A_48 = arith.mulf %scan3A_41#1, %mul3A_47 : vector<16xf32>
    %mul3A_49 = arith.constant 2 : i32
    %mul3A_50 = vector.broadcast %mul3A_49 : i32 to vector<16xi32>
    %mul3A_51 = arith.muli %iota3A, %mul3A_50 : vector<16xi32>
    %add3A_52 = arith.constant 32 : i32
    %add3A_53 = vector.broadcast %add3A_52 : i32 to vector<16xi32>
    %add3A_54 = arith.addi %mul3A_51, %add3A_53 : vector<16xi32>
    tpu.vector_store_idx %arg8[%add3A_54], %mul3A_45 : memref<256xf32, #tpu.memory_space<vmem>>[vector<16xi32>], vector<16xf32>,
    %add3A_55 = arith.constant 1 : i32
    %add3A_56 = vector.broadcast %add3A_55 : i32 to vector<16xi32>
    %add3A_57 = arith.addi %add3A_54, %add3A_56 : vector<16xi32>
    tpu.vector_store_idx %arg8[%add3A_57], %mul3A_48 : memref<256xf32, #tpu.memory_space<vmem>>[vector<16xi32>], vector<16xf32>,
    %broadcast_in_dim3A_58 = arith.constant 0.000000e+00 : f32
    %broadcast_in_dim3A_59 = vector.broadcast %broadcast_in_dim3A_58 : f32 to vector<16xf32>
    %broadcast_in_dim3A_60 = arith.constant 0.000000e+00 : f32
    %broadcast_in_dim3A_61 = vector.broadcast %broadcast_in_dim3A_60 : f32 to vector<16xf32>
    %scan3A_62 = arith.constant 0 : i32
    %scan3A_63 = arith.constant 50 : i32
    %scan3A_64 = arith.addi %scan3A_62, %scan3A_63 : i32
    %scan3A_65 = arith.constant 10 : i32
    %scan3A_66:2 = scf.for %scan3A_210 = %scan3A_62 to %scan3A_64 step %scan3A_65 iter_args(%scan3A_211 = %broadcast_in_dim3A_59, %scan3A_212 = %broadcast_in_dim3A_61) -> (vector<16xf32>, vector<16xf32>)  : i32 {
      %get3A = arith.index_cast %scan3A_210 : i32 to index
      %get3A_213 = arith.constant 32 : index
      %get3A_214 = tpu.vector_load %arg7[%get3A, %get3A_213] {strides = array<i32>} : memref<50x128xi32, #tpu.memory_space<vmem>>, vector<16xi32>,
      %gather3A = tpu.vector_load_idx %arg6[%get3A_214] : memref<114688xf32, #tpu.memory_space<vmem>>[vector<16xi32>], vector<16xf32>,
      %bitcast3A = vector.bitcast %gather3A : vector<16xf32> to vector<16xi32>
      %and3A = arith.constant -65536 : i32
      %and3A_215 = vector.broadcast %and3A : i32 to vector<16xi32>
      %and3A_216 = arith.andi %bitcast3A, %and3A_215 : vector<16xi32>
      %bitcast3A_217 = vector.bitcast %and3A_216 : vector<16xi32> to vector<16xf32>
      %shift_left3A = arith.constant 16 : i32
      %shift_left3A_218 = vector.broadcast %shift_left3A : i32 to vector<16xi32>
      %shift_left3A_219 = arith.shli %bitcast3A, %shift_left3A_218 : vector<16xi32>
      %bitcast3A_220 = vector.bitcast %shift_left3A_219 : vector<16xi32> to vector<16xf32>
      %add3A_221 = arith.addf %scan3A_211, %bitcast3A_217 : vector<16xf32>
      %add3A_222 = arith.addf %scan3A_212, %bitcast3A_220 : vector<16xf32>
      %scan3A_223 = arith.constant 1 : i32
      %scan3A_224 = arith.addi %scan3A_210, %scan3A_223 : i32
      %get3A_225 = arith.index_cast %scan3A_224 : i32 to index
      %get3A_226 = arith.constant 32 : index
      %get3A_227 = tpu.vector_load %arg7[%get3A_225, %get3A_226] {strides = array<i32>} : memref<50x128xi32, #tpu.memory_space<vmem>>, vector<16xi32>,
      %gather3A_228 = tpu.vector_load_idx %arg6[%get3A_227] : memref<114688xf32, #tpu.memory_space<vmem>>[vector<16xi32>], vector<16xf32>,
      %bitcast3A_229 = vector.bitcast %gather3A_228 : vector<16xf32> to vector<16xi32>
      %and3A_230 = arith.constant -65536 : i32
      %and3A_231 = vector.broadcast %and3A_230 : i32 to vector<16xi32>
      %and3A_232 = arith.andi %bitcast3A_229, %and3A_231 : vector<16xi32>
      %bitcast3A_233 = vector.bitcast %and3A_232 : vector<16xi32> to vector<16xf32>
      %shift_left3A_234 = arith.constant 16 : i32
      %shift_left3A_235 = vector.broadcast %shift_left3A_234 : i32 to vector<16xi32>
      %shift_left3A_236 = arith.shli %bitcast3A_229, %shift_left3A_235 : vector<16xi32>
      %bitcast3A_237 = vector.bitcast %shift_left3A_236 : vector<16xi32> to vector<16xf32>
      %add3A_238 = arith.addf %add3A_221, %bitcast3A_233 : vector<16xf32>
      %add3A_239 = arith.addf %add3A_222, %bitcast3A_237 : vector<16xf32>
      %scan3A_240 = arith.constant 2 : i32
      %scan3A_241 = arith.addi %scan3A_210, %scan3A_240 : i32
      %get3A_242 = arith.index_cast %scan3A_241 : i32 to index
      %get3A_243 = arith.constant 32 : index
      %get3A_244 = tpu.vector_load %arg7[%get3A_242, %get3A_243] {strides = array<i32>} : memref<50x128xi32, #tpu.memory_space<vmem>>, vector<16xi32>,
      %gather3A_245 = tpu.vector_load_idx %arg6[%get3A_244] : memref<114688xf32, #tpu.memory_space<vmem>>[vector<16xi32>], vector<16xf32>,
      %bitcast3A_246 = vector.bitcast %gather3A_245 : vector<16xf32> to vector<16xi32>
      %and3A_247 = arith.constant -65536 : i32
      %and3A_248 = vector.broadcast %and3A_247 : i32 to vector<16xi32>
      %and3A_249 = arith.andi %bitcast3A_246, %and3A_248 : vector<16xi32>
      %bitcast3A_250 = vector.bitcast %and3A_249 : vector<16xi32> to vector<16xf32>
      %shift_left3A_251 = arith.constant 16 : i32
      %shift_left3A_252 = vector.broadcast %shift_left3A_251 : i32 to vector<16xi32>
      %shift_left3A_253 = arith.shli %bitcast3A_246, %shift_left3A_252 : vector<16xi32>
      %bitcast3A_254 = vector.bitcast %shift_left3A_253 : vector<16xi32> to vector<16xf32>
      %add3A_255 = arith.addf %add3A_238, %bitcast3A_250 : vector<16xf32>
      %add3A_256 = arith.addf %add3A_239, %bitcast3A_254 : vector<16xf32>
      %scan3A_257 = arith.constant 3 : i32
      %scan3A_258 = arith.addi %scan3A_210, %scan3A_257 : i32
      %get3A_259 = arith.index_cast %scan3A_258 : i32 to index
      %get3A_260 = arith.constant 32 : index
      %get3A_261 = tpu.vector_load %arg7[%get3A_259, %get3A_260] {strides = array<i32>} : memref<50x128xi32, #tpu.memory_space<vmem>>, vector<16xi32>,
      %gather3A_262 = tpu.vector_load_idx %arg6[%get3A_261] : memref<114688xf32, #tpu.memory_space<vmem>>[vector<16xi32>], vector<16xf32>,
      %bitcast3A_263 = vector.bitcast %gather3A_262 : vector<16xf32> to vector<16xi32>
      %and3A_264 = arith.constant -65536 : i32
      %and3A_265 = vector.broadcast %and3A_264 : i32 to vector<16xi32>
      %and3A_266 = arith.andi %bitcast3A_263, %and3A_265 : vector<16xi32>
      %bitcast3A_267 = vector.bitcast %and3A_266 : vector<16xi32> to vector<16xf32>
      %shift_left3A_268 = arith.constant 16 : i32
      %shift_left3A_269 = vector.broadcast %shift_left3A_268 : i32 to vector<16xi32>
      %shift_left3A_270 = arith.shli %bitcast3A_263, %shift_left3A_269 : vector<16xi32>
      %bitcast3A_271 = vector.bitcast %shift_left3A_270 : vector<16xi32> to vector<16xf32>
      %add3A_272 = arith.addf %add3A_255, %bitcast3A_267 : vector<16xf32>
      %add3A_273 = arith.addf %add3A_256, %bitcast3A_271 : vector<16xf32>
      %scan3A_274 = arith.constant 4 : i32
      %scan3A_275 = arith.addi %scan3A_210, %scan3A_274 : i32
      %get3A_276 = arith.index_cast %scan3A_275 : i32 to index
      %get3A_277 = arith.constant 32 : index
      %get3A_278 = tpu.vector_load %arg7[%get3A_276, %get3A_277] {strides = array<i32>} : memref<50x128xi32, #tpu.memory_space<vmem>>, vector<16xi32>,
      %gather3A_279 = tpu.vector_load_idx %arg6[%get3A_278] : memref<114688xf32, #tpu.memory_space<vmem>>[vector<16xi32>], vector<16xf32>,
      %bitcast3A_280 = vector.bitcast %gather3A_279 : vector<16xf32> to vector<16xi32>
      %and3A_281 = arith.constant -65536 : i32
      %and3A_282 = vector.broadcast %and3A_281 : i32 to vector<16xi32>
      %and3A_283 = arith.andi %bitcast3A_280, %and3A_282 : vector<16xi32>
      %bitcast3A_284 = vector.bitcast %and3A_283 : vector<16xi32> to vector<16xf32>
      %shift_left3A_285 = arith.constant 16 : i32
      %shift_left3A_286 = vector.broadcast %shift_left3A_285 : i32 to vector<16xi32>
      %shift_left3A_287 = arith.shli %bitcast3A_280, %shift_left3A_286 : vector<16xi32>
      %bitcast3A_288 = vector.bitcast %shift_left3A_287 : vector<16xi32> to vector<16xf32>
      %add3A_289 = arith.addf %add3A_272, %bitcast3A_284 : vector<16xf32>
      %add3A_290 = arith.addf %add3A_273, %bitcast3A_288 : vector<16xf32>
      %scan3A_291 = arith.constant 5 : i32
      %scan3A_292 = arith.addi %scan3A_210, %scan3A_291 : i32
      %get3A_293 = arith.index_cast %scan3A_292 : i32 to index
      %get3A_294 = arith.constant 32 : index
      %get3A_295 = tpu.vector_load %arg7[%get3A_293, %get3A_294] {strides = array<i32>} : memref<50x128xi32, #tpu.memory_space<vmem>>, vector<16xi32>,
      %gather3A_296 = tpu.vector_load_idx %arg6[%get3A_295] : memref<114688xf32, #tpu.memory_space<vmem>>[vector<16xi32>], vector<16xf32>,
      %bitcast3A_297 = vector.bitcast %gather3A_296 : vector<16xf32> to vector<16xi32>
      %and3A_298 = arith.constant -65536 : i32
      %and3A_299 = vector.broadcast %and3A_298 : i32 to vector<16xi32>
      %and3A_300 = arith.andi %bitcast3A_297, %and3A_299 : vector<16xi32>
      %bitcast3A_301 = vector.bitcast %and3A_300 : vector<16xi32> to vector<16xf32>
      %shift_left3A_302 = arith.constant 16 : i32
      %shift_left3A_303 = vector.broadcast %shift_left3A_302 : i32 to vector<16xi32>
      %shift_left3A_304 = arith.shli %bitcast3A_297, %shift_left3A_303 : vector<16xi32>
      %bitcast3A_305 = vector.bitcast %shift_left3A_304 : vector<16xi32> to vector<16xf32>
      %add3A_306 = arith.addf %add3A_289, %bitcast3A_301 : vector<16xf32>
      %add3A_307 = arith.addf %add3A_290, %bitcast3A_305 : vector<16xf32>
      %scan3A_308 = arith.constant 6 : i32
      %scan3A_309 = arith.addi %scan3A_210, %scan3A_308 : i32
      %get3A_310 = arith.index_cast %scan3A_309 : i32 to index
      %get3A_311 = arith.constant 32 : index
      %get3A_312 = tpu.vector_load %arg7[%get3A_310, %get3A_311] {strides = array<i32>} : memref<50x128xi32, #tpu.memory_space<vmem>>, vector<16xi32>,
      %gather3A_313 = tpu.vector_load_idx %arg6[%get3A_312] : memref<114688xf32, #tpu.memory_space<vmem>>[vector<16xi32>], vector<16xf32>,
      %bitcast3A_314 = vector.bitcast %gather3A_313 : vector<16xf32> to vector<16xi32>
      %and3A_315 = arith.constant -65536 : i32
      %and3A_316 = vector.broadcast %and3A_315 : i32 to vector<16xi32>
      %and3A_317 = arith.andi %bitcast3A_314, %and3A_316 : vector<16xi32>
      %bitcast3A_318 = vector.bitcast %and3A_317 : vector<16xi32> to vector<16xf32>
      %shift_left3A_319 = arith.constant 16 : i32
      %shift_left3A_320 = vector.broadcast %shift_left3A_319 : i32 to vector<16xi32>
      %shift_left3A_321 = arith.shli %bitcast3A_314, %shift_left3A_320 : vector<16xi32>
      %bitcast3A_322 = vector.bitcast %shift_left3A_321 : vector<16xi32> to vector<16xf32>
      %add3A_323 = arith.addf %add3A_306, %bitcast3A_318 : vector<16xf32>
      %add3A_324 = arith.addf %add3A_307, %bitcast3A_322 : vector<16xf32>
      %scan3A_325 = arith.constant 7 : i32
      %scan3A_326 = arith.addi %scan3A_210, %scan3A_325 : i32
      %get3A_327 = arith.index_cast %scan3A_326 : i32 to index
      %get3A_328 = arith.constant 32 : index
      %get3A_329 = tpu.vector_load %arg7[%get3A_327, %get3A_328] {strides = array<i32>} : memref<50x128xi32, #tpu.memory_space<vmem>>, vector<16xi32>,
      %gather3A_330 = tpu.vector_load_idx %arg6[%get3A_329] : memref<114688xf32, #tpu.memory_space<vmem>>[vector<16xi32>], vector<16xf32>,
      %bitcast3A_331 = vector.bitcast %gather3A_330 : vector<16xf32> to vector<16xi32>
      %and3A_332 = arith.constant -65536 : i32
      %and3A_333 = vector.broadcast %and3A_332 : i32 to vector<16xi32>
      %and3A_334 = arith.andi %bitcast3A_331, %and3A_333 : vector<16xi32>
      %bitcast3A_335 = vector.bitcast %and3A_334 : vector<16xi32> to vector<16xf32>
      %shift_left3A_336 = arith.constant 16 : i32
      %shift_left3A_337 = vector.broadcast %shift_left3A_336 : i32 to vector<16xi32>
      %shift_left3A_338 = arith.shli %bitcast3A_331, %shift_left3A_337 : vector<16xi32>
      %bitcast3A_339 = vector.bitcast %shift_left3A_338 : vector<16xi32> to vector<16xf32>
      %add3A_340 = arith.addf %add3A_323, %bitcast3A_335 : vector<16xf32>
      %add3A_341 = arith.addf %add3A_324, %bitcast3A_339 : vector<16xf32>
      %scan3A_342 = arith.constant 8 : i32
      %scan3A_343 = arith.addi %scan3A_210, %scan3A_342 : i32
      %get3A_344 = arith.index_cast %scan3A_343 : i32 to index
      %get3A_345 = arith.constant 32 : index
      %get3A_346 = tpu.vector_load %arg7[%get3A_344, %get3A_345] {strides = array<i32>} : memref<50x128xi32, #tpu.memory_space<vmem>>, vector<16xi32>,
      %gather3A_347 = tpu.vector_load_idx %arg6[%get3A_346] : memref<114688xf32, #tpu.memory_space<vmem>>[vector<16xi32>], vector<16xf32>,
      %bitcast3A_348 = vector.bitcast %gather3A_347 : vector<16xf32> to vector<16xi32>
      %and3A_349 = arith.constant -65536 : i32
      %and3A_350 = vector.broadcast %and3A_349 : i32 to vector<16xi32>
      %and3A_351 = arith.andi %bitcast3A_348, %and3A_350 : vector<16xi32>
      %bitcast3A_352 = vector.bitcast %and3A_351 : vector<16xi32> to vector<16xf32>
      %shift_left3A_353 = arith.constant 16 : i32
      %shift_left3A_354 = vector.broadcast %shift_left3A_353 : i32 to vector<16xi32>
      %shift_left3A_355 = arith.shli %bitcast3A_348, %shift_left3A_354 : vector<16xi32>
      %bitcast3A_356 = vector.bitcast %shift_left3A_355 : vector<16xi32> to vector<16xf32>
      %add3A_357 = arith.addf %add3A_340, %bitcast3A_352 : vector<16xf32>
      %add3A_358 = arith.addf %add3A_341, %bitcast3A_356 : vector<16xf32>
      %scan3A_359 = arith.constant 9 : i32
      %scan3A_360 = arith.addi %scan3A_210, %scan3A_359 : i32
      %get3A_361 = arith.index_cast %scan3A_360 : i32 to index
      %get3A_362 = arith.constant 32 : index
      %get3A_363 = tpu.vector_load %arg7[%get3A_361, %get3A_362] {strides = array<i32>} : memref<50x128xi32, #tpu.memory_space<vmem>>, vector<16xi32>,
      %gather3A_364 = tpu.vector_load_idx %arg6[%get3A_363] : memref<114688xf32, #tpu.memory_space<vmem>>[vector<16xi32>], vector<16xf32>,
      %bitcast3A_365 = vector.bitcast %gather3A_364 : vector<16xf32> to vector<16xi32>
      %and3A_366 = arith.constant -65536 : i32
      %and3A_367 = vector.broadcast %and3A_366 : i32 to vector<16xi32>
      %and3A_368 = arith.andi %bitcast3A_365, %and3A_367 : vector<16xi32>
      %bitcast3A_369 = vector.bitcast %and3A_368 : vector<16xi32> to vector<16xf32>
      %shift_left3A_370 = arith.constant 16 : i32
      %shift_left3A_371 = vector.broadcast %shift_left3A_370 : i32 to vector<16xi32>
      %shift_left3A_372 = arith.shli %bitcast3A_365, %shift_left3A_371 : vector<16xi32>
      %bitcast3A_373 = vector.bitcast %shift_left3A_372 : vector<16xi32> to vector<16xf32>
      %add3A_374 = arith.addf %add3A_357, %bitcast3A_369 : vector<16xf32>
      %add3A_375 = arith.addf %add3A_358, %bitcast3A_373 : vector<16xf32>
      scf.yield %add3A_374, %add3A_375 : vector<16xf32>, vector<16xf32>
    }
    %scan3A_67 = arith.constant 50 : i32
    %mul3A_68 = arith.constant 2.000000e-02 : f32
    %mul3A_69 = vector.broadcast %mul3A_68 : f32 to vector<16xf32>
    %mul3A_70 = arith.mulf %scan3A_66#0, %mul3A_69 : vector<16xf32>
    %mul3A_71 = arith.constant 2.000000e-02 : f32
    %mul3A_72 = vector.broadcast %mul3A_71 : f32 to vector<16xf32>
    %mul3A_73 = arith.mulf %scan3A_66#1, %mul3A_72 : vector<16xf32>
    %mul3A_74 = arith.constant 2 : i32
    %mul3A_75 = vector.broadcast %mul3A_74 : i32 to vector<16xi32>
    %mul3A_76 = arith.muli %iota3A, %mul3A_75 : vector<16xi32>
    %add3A_77 = arith.constant 64 : i32
    %add3A_78 = vector.broadcast %add3A_77 : i32 to vector<16xi32>
    %add3A_79 = arith.addi %mul3A_76, %add3A_78 : vector<16xi32>
    tpu.vector_store_idx %arg8[%add3A_79], %mul3A_70 : memref<256xf32, #tpu.memory_space<vmem>>[vector<16xi32>], vector<16xf32>,
    %add3A_80 = arith.constant 1 : i32
    %add3A_81 = vector.broadcast %add3A_80 : i32 to vector<16xi32>
    %add3A_82 = arith.addi %add3A_79, %add3A_81 : vector<16xi32>
    tpu.vector_store_idx %arg8[%add3A_82], %mul3A_73 : memref<256xf32, #tpu.memory_space<vmem>>[vector<16xi32>], vector<16xf32>,
    %broadcast_in_dim3A_83 = arith.constant 0.000000e+00 : f32
    %broadcast_in_dim3A_84 = vector.broadcast %broadcast_in_dim3A_83 : f32 to vector<16xf32>
    %broadcast_in_dim3A_85 = arith.constant 0.000000e+00 : f32
    %broadcast_in_dim3A_86 = vector.broadcast %broadcast_in_dim3A_85 : f32 to vector<16xf32>
    %scan3A_87 = arith.constant 0 : i32
    %scan3A_88 = arith.constant 50 : i32
    %scan3A_89 = arith.addi %scan3A_87, %scan3A_88 : i32
    %scan3A_90 = arith.constant 10 : i32
    %scan3A_91:2 = scf.for %scan3A_210 = %scan3A_87 to %scan3A_89 step %scan3A_90 iter_args(%scan3A_211 = %broadcast_in_dim3A_84, %scan3A_212 = %broadcast_in_dim3A_86) -> (vector<16xf32>, vector<16xf32>)  : i32 {
      %get3A = arith.index_cast %scan3A_210 : i32 to index
      %get3A_213 = arith.constant 48 : index
      %get3A_214 = tpu.vector_load %arg7[%get3A, %get3A_213] {strides = array<i32>} : memref<50x128xi32, #tpu.memory_space<vmem>>, vector<16xi32>,
      %gather3A = tpu.vector_load_idx %arg6[%get3A_214] : memref<114688xf32, #tpu.memory_space<vmem>>[vector<16xi32>], vector<16xf32>,
      %bitcast3A = vector.bitcast %gather3A : vector<16xf32> to vector<16xi32>
      %and3A = arith.constant -65536 : i32
      %and3A_215 = vector.broadcast %and3A : i32 to vector<16xi32>
      %and3A_216 = arith.andi %bitcast3A, %and3A_215 : vector<16xi32>
      %bitcast3A_217 = vector.bitcast %and3A_216 : vector<16xi32> to vector<16xf32>
      %shift_left3A = arith.constant 16 : i32
      %shift_left3A_218 = vector.broadcast %shift_left3A : i32 to vector<16xi32>
      %shift_left3A_219 = arith.shli %bitcast3A, %shift_left3A_218 : vector<16xi32>
      %bitcast3A_220 = vector.bitcast %shift_left3A_219 : vector<16xi32> to vector<16xf32>
      %add3A_221 = arith.addf %scan3A_211, %bitcast3A_217 : vector<16xf32>
      %add3A_222 = arith.addf %scan3A_212, %bitcast3A_220 : vector<16xf32>
      %scan3A_223 = arith.constant 1 : i32
      %scan3A_224 = arith.addi %scan3A_210, %scan3A_223 : i32
      %get3A_225 = arith.index_cast %scan3A_224 : i32 to index
      %get3A_226 = arith.constant 48 : index
      %get3A_227 = tpu.vector_load %arg7[%get3A_225, %get3A_226] {strides = array<i32>} : memref<50x128xi32, #tpu.memory_space<vmem>>, vector<16xi32>,
      %gather3A_228 = tpu.vector_load_idx %arg6[%get3A_227] : memref<114688xf32, #tpu.memory_space<vmem>>[vector<16xi32>], vector<16xf32>,
      %bitcast3A_229 = vector.bitcast %gather3A_228 : vector<16xf32> to vector<16xi32>
      %and3A_230 = arith.constant -65536 : i32
      %and3A_231 = vector.broadcast %and3A_230 : i32 to vector<16xi32>
      %and3A_232 = arith.andi %bitcast3A_229, %and3A_231 : vector<16xi32>
      %bitcast3A_233 = vector.bitcast %and3A_232 : vector<16xi32> to vector<16xf32>
      %shift_left3A_234 = arith.constant 16 : i32
      %shift_left3A_235 = vector.broadcast %shift_left3A_234 : i32 to vector<16xi32>
      %shift_left3A_236 = arith.shli %bitcast3A_229, %shift_left3A_235 : vector<16xi32>
      %bitcast3A_237 = vector.bitcast %shift_left3A_236 : vector<16xi32> to vector<16xf32>
      %add3A_238 = arith.addf %add3A_221, %bitcast3A_233 : vector<16xf32>
      %add3A_239 = arith.addf %add3A_222, %bitcast3A_237 : vector<16xf32>
      %scan3A_240 = arith.constant 2 : i32
      %scan3A_241 = arith.addi %scan3A_210, %scan3A_240 : i32
      %get3A_242 = arith.index_cast %scan3A_241 : i32 to index
      %get3A_243 = arith.constant 48 : index
      %get3A_244 = tpu.vector_load %arg7[%get3A_242, %get3A_243] {strides = array<i32>} : memref<50x128xi32, #tpu.memory_space<vmem>>, vector<16xi32>,
      %gather3A_245 = tpu.vector_load_idx %arg6[%get3A_244] : memref<114688xf32, #tpu.memory_space<vmem>>[vector<16xi32>], vector<16xf32>,
      %bitcast3A_246 = vector.bitcast %gather3A_245 : vector<16xf32> to vector<16xi32>
      %and3A_247 = arith.constant -65536 : i32
      %and3A_248 = vector.broadcast %and3A_247 : i32 to vector<16xi32>
      %and3A_249 = arith.andi %bitcast3A_246, %and3A_248 : vector<16xi32>
      %bitcast3A_250 = vector.bitcast %and3A_249 : vector<16xi32> to vector<16xf32>
      %shift_left3A_251 = arith.constant 16 : i32
      %shift_left3A_252 = vector.broadcast %shift_left3A_251 : i32 to vector<16xi32>
      %shift_left3A_253 = arith.shli %bitcast3A_246, %shift_left3A_252 : vector<16xi32>
      %bitcast3A_254 = vector.bitcast %shift_left3A_253 : vector<16xi32> to vector<16xf32>
      %add3A_255 = arith.addf %add3A_238, %bitcast3A_250 : vector<16xf32>
      %add3A_256 = arith.addf %add3A_239, %bitcast3A_254 : vector<16xf32>
      %scan3A_257 = arith.constant 3 : i32
      %scan3A_258 = arith.addi %scan3A_210, %scan3A_257 : i32
      %get3A_259 = arith.index_cast %scan3A_258 : i32 to index
      %get3A_260 = arith.constant 48 : index
      %get3A_261 = tpu.vector_load %arg7[%get3A_259, %get3A_260] {strides = array<i32>} : memref<50x128xi32, #tpu.memory_space<vmem>>, vector<16xi32>,
      %gather3A_262 = tpu.vector_load_idx %arg6[%get3A_261] : memref<114688xf32, #tpu.memory_space<vmem>>[vector<16xi32>], vector<16xf32>,
      %bitcast3A_263 = vector.bitcast %gather3A_262 : vector<16xf32> to vector<16xi32>
      %and3A_264 = arith.constant -65536 : i32
      %and3A_265 = vector.broadcast %and3A_264 : i32 to vector<16xi32>
      %and3A_266 = arith.andi %bitcast3A_263, %and3A_265 : vector<16xi32>
      %bitcast3A_267 = vector.bitcast %and3A_266 : vector<16xi32> to vector<16xf32>
      %shift_left3A_268 = arith.constant 16 : i32
      %shift_left3A_269 = vector.broadcast %shift_left3A_268 : i32 to vector<16xi32>
      %shift_left3A_270 = arith.shli %bitcast3A_263, %shift_left3A_269 : vector<16xi32>
      %bitcast3A_271 = vector.bitcast %shift_left3A_270 : vector<16xi32> to vector<16xf32>
      %add3A_272 = arith.addf %add3A_255, %bitcast3A_267 : vector<16xf32>
      %add3A_273 = arith.addf %add3A_256, %bitcast3A_271 : vector<16xf32>
      %scan3A_274 = arith.constant 4 : i32
      %scan3A_275 = arith.addi %scan3A_210, %scan3A_274 : i32
      %get3A_276 = arith.index_cast %scan3A_275 : i32 to index
      %get3A_277 = arith.constant 48 : index
      %get3A_278 = tpu.vector_load %arg7[%get3A_276, %get3A_277] {strides = array<i32>} : memref<50x128xi32, #tpu.memory_space<vmem>>, vector<16xi32>,
      %gather3A_279 = tpu.vector_load_idx %arg6[%get3A_278] : memref<114688xf32, #tpu.memory_space<vmem>>[vector<16xi32>], vector<16xf32>,
      %bitcast3A_280 = vector.bitcast %gather3A_279 : vector<16xf32> to vector<16xi32>
      %and3A_281 = arith.constant -65536 : i32
      %and3A_282 = vector.broadcast %and3A_281 : i32 to vector<16xi32>
      %and3A_283 = arith.andi %bitcast3A_280, %and3A_282 : vector<16xi32>
      %bitcast3A_284 = vector.bitcast %and3A_283 : vector<16xi32> to vector<16xf32>
      %shift_left3A_285 = arith.constant 16 : i32
      %shift_left3A_286 = vector.broadcast %shift_left3A_285 : i32 to vector<16xi32>
      %shift_left3A_287 = arith.shli %bitcast3A_280, %shift_left3A_286 : vector<16xi32>
      %bitcast3A_288 = vector.bitcast %shift_left3A_287 : vector<16xi32> to vector<16xf32>
      %add3A_289 = arith.addf %add3A_272, %bitcast3A_284 : vector<16xf32>
      %add3A_290 = arith.addf %add3A_273, %bitcast3A_288 : vector<16xf32>
      %scan3A_291 = arith.constant 5 : i32
      %scan3A_292 = arith.addi %scan3A_210, %scan3A_291 : i32
      %get3A_293 = arith.index_cast %scan3A_292 : i32 to index
      %get3A_294 = arith.constant 48 : index
      %get3A_295 = tpu.vector_load %arg7[%get3A_293, %get3A_294] {strides = array<i32>} : memref<50x128xi32, #tpu.memory_space<vmem>>, vector<16xi32>,
      %gather3A_296 = tpu.vector_load_idx %arg6[%get3A_295] : memref<114688xf32, #tpu.memory_space<vmem>>[vector<16xi32>], vector<16xf32>,
      %bitcast3A_297 = vector.bitcast %gather3A_296 : vector<16xf32> to vector<16xi32>
      %and3A_298 = arith.constant -65536 : i32
      %and3A_299 = vector.broadcast %and3A_298 : i32 to vector<16xi32>
      %and3A_300 = arith.andi %bitcast3A_297, %and3A_299 : vector<16xi32>
      %bitcast3A_301 = vector.bitcast %and3A_300 : vector<16xi32> to vector<16xf32>
      %shift_left3A_302 = arith.constant 16 : i32
      %shift_left3A_303 = vector.broadcast %shift_left3A_302 : i32 to vector<16xi32>
      %shift_left3A_304 = arith.shli %bitcast3A_297, %shift_left3A_303 : vector<16xi32>
      %bitcast3A_305 = vector.bitcast %shift_left3A_304 : vector<16xi32> to vector<16xf32>
      %add3A_306 = arith.addf %add3A_289, %bitcast3A_301 : vector<16xf32>
      %add3A_307 = arith.addf %add3A_290, %bitcast3A_305 : vector<16xf32>
      %scan3A_308 = arith.constant 6 : i32
      %scan3A_309 = arith.addi %scan3A_210, %scan3A_308 : i32
      %get3A_310 = arith.index_cast %scan3A_309 : i32 to index
      %get3A_311 = arith.constant 48 : index
      %get3A_312 = tpu.vector_load %arg7[%get3A_310, %get3A_311] {strides = array<i32>} : memref<50x128xi32, #tpu.memory_space<vmem>>, vector<16xi32>,
      %gather3A_313 = tpu.vector_load_idx %arg6[%get3A_312] : memref<114688xf32, #tpu.memory_space<vmem>>[vector<16xi32>], vector<16xf32>,
      %bitcast3A_314 = vector.bitcast %gather3A_313 : vector<16xf32> to vector<16xi32>
      %and3A_315 = arith.constant -65536 : i32
      %and3A_316 = vector.broadcast %and3A_315 : i32 to vector<16xi32>
      %and3A_317 = arith.andi %bitcast3A_314, %and3A_316 : vector<16xi32>
      %bitcast3A_318 = vector.bitcast %and3A_317 : vector<16xi32> to vector<16xf32>
      %shift_left3A_319 = arith.constant 16 : i32
      %shift_left3A_320 = vector.broadcast %shift_left3A_319 : i32 to vector<16xi32>
      %shift_left3A_321 = arith.shli %bitcast3A_314, %shift_left3A_320 : vector<16xi32>
      %bitcast3A_322 = vector.bitcast %shift_left3A_321 : vector<16xi32> to vector<16xf32>
      %add3A_323 = arith.addf %add3A_306, %bitcast3A_318 : vector<16xf32>
      %add3A_324 = arith.addf %add3A_307, %bitcast3A_322 : vector<16xf32>
      %scan3A_325 = arith.constant 7 : i32
      %scan3A_326 = arith.addi %scan3A_210, %scan3A_325 : i32
      %get3A_327 = arith.index_cast %scan3A_326 : i32 to index
      %get3A_328 = arith.constant 48 : index
      %get3A_329 = tpu.vector_load %arg7[%get3A_327, %get3A_328] {strides = array<i32>} : memref<50x128xi32, #tpu.memory_space<vmem>>, vector<16xi32>,
      %gather3A_330 = tpu.vector_load_idx %arg6[%get3A_329] : memref<114688xf32, #tpu.memory_space<vmem>>[vector<16xi32>], vector<16xf32>,
      %bitcast3A_331 = vector.bitcast %gather3A_330 : vector<16xf32> to vector<16xi32>
      %and3A_332 = arith.constant -65536 : i32
      %and3A_333 = vector.broadcast %and3A_332 : i32 to vector<16xi32>
      %and3A_334 = arith.andi %bitcast3A_331, %and3A_333 : vector<16xi32>
      %bitcast3A_335 = vector.bitcast %and3A_334 : vector<16xi32> to vector<16xf32>
      %shift_left3A_336 = arith.constant 16 : i32
      %shift_left3A_337 = vector.broadcast %shift_left3A_336 : i32 to vector<16xi32>
      %shift_left3A_338 = arith.shli %bitcast3A_331, %shift_left3A_337 : vector<16xi32>
      %bitcast3A_339 = vector.bitcast %shift_left3A_338 : vector<16xi32> to vector<16xf32>
      %add3A_340 = arith.addf %add3A_323, %bitcast3A_335 : vector<16xf32>
      %add3A_341 = arith.addf %add3A_324, %bitcast3A_339 : vector<16xf32>
      %scan3A_342 = arith.constant 8 : i32
      %scan3A_343 = arith.addi %scan3A_210, %scan3A_342 : i32
      %get3A_344 = arith.index_cast %scan3A_343 : i32 to index
      %get3A_345 = arith.constant 48 : index
      %get3A_346 = tpu.vector_load %arg7[%get3A_344, %get3A_345] {strides = array<i32>} : memref<50x128xi32, #tpu.memory_space<vmem>>, vector<16xi32>,
      %gather3A_347 = tpu.vector_load_idx %arg6[%get3A_346] : memref<114688xf32, #tpu.memory_space<vmem>>[vector<16xi32>], vector<16xf32>,
      %bitcast3A_348 = vector.bitcast %gather3A_347 : vector<16xf32> to vector<16xi32>
      %and3A_349 = arith.constant -65536 : i32
      %and3A_350 = vector.broadcast %and3A_349 : i32 to vector<16xi32>
      %and3A_351 = arith.andi %bitcast3A_348, %and3A_350 : vector<16xi32>
      %bitcast3A_352 = vector.bitcast %and3A_351 : vector<16xi32> to vector<16xf32>
      %shift_left3A_353 = arith.constant 16 : i32
      %shift_left3A_354 = vector.broadcast %shift_left3A_353 : i32 to vector<16xi32>
      %shift_left3A_355 = arith.shli %bitcast3A_348, %shift_left3A_354 : vector<16xi32>
      %bitcast3A_356 = vector.bitcast %shift_left3A_355 : vector<16xi32> to vector<16xf32>
      %add3A_357 = arith.addf %add3A_340, %bitcast3A_352 : vector<16xf32>
      %add3A_358 = arith.addf %add3A_341, %bitcast3A_356 : vector<16xf32>
      %scan3A_359 = arith.constant 9 : i32
      %scan3A_360 = arith.addi %scan3A_210, %scan3A_359 : i32
      %get3A_361 = arith.index_cast %scan3A_360 : i32 to index
      %get3A_362 = arith.constant 48 : index
      %get3A_363 = tpu.vector_load %arg7[%get3A_361, %get3A_362] {strides = array<i32>} : memref<50x128xi32, #tpu.memory_space<vmem>>, vector<16xi32>,
      %gather3A_364 = tpu.vector_load_idx %arg6[%get3A_363] : memref<114688xf32, #tpu.memory_space<vmem>>[vector<16xi32>], vector<16xf32>,
      %bitcast3A_365 = vector.bitcast %gather3A_364 : vector<16xf32> to vector<16xi32>
      %and3A_366 = arith.constant -65536 : i32
      %and3A_367 = vector.broadcast %and3A_366 : i32 to vector<16xi32>
      %and3A_368 = arith.andi %bitcast3A_365, %and3A_367 : vector<16xi32>
      %bitcast3A_369 = vector.bitcast %and3A_368 : vector<16xi32> to vector<16xf32>
      %shift_left3A_370 = arith.constant 16 : i32
      %shift_left3A_371 = vector.broadcast %shift_left3A_370 : i32 to vector<16xi32>
      %shift_left3A_372 = arith.shli %bitcast3A_365, %shift_left3A_371 : vector<16xi32>
      %bitcast3A_373 = vector.bitcast %shift_left3A_372 : vector<16xi32> to vector<16xf32>
      %add3A_374 = arith.addf %add3A_357, %bitcast3A_369 : vector<16xf32>
      %add3A_375 = arith.addf %add3A_358, %bitcast3A_373 : vector<16xf32>
      scf.yield %add3A_374, %add3A_375 : vector<16xf32>, vector<16xf32>
    }
    %scan3A_92 = arith.constant 50 : i32
    %mul3A_93 = arith.constant 2.000000e-02 : f32
    %mul3A_94 = vector.broadcast %mul3A_93 : f32 to vector<16xf32>
    %mul3A_95 = arith.mulf %scan3A_91#0, %mul3A_94 : vector<16xf32>
    %mul3A_96 = arith.constant 2.000000e-02 : f32
    %mul3A_97 = vector.broadcast %mul3A_96 : f32 to vector<16xf32>
    %mul3A_98 = arith.mulf %scan3A_91#1, %mul3A_97 : vector<16xf32>
    %mul3A_99 = arith.constant 2 : i32
    %mul3A_100 = vector.broadcast %mul3A_99 : i32 to vector<16xi32>
    %mul3A_101 = arith.muli %iota3A, %mul3A_100 : vector<16xi32>
    %add3A_102 = arith.constant 96 : i32
    %add3A_103 = vector.broadcast %add3A_102 : i32 to vector<16xi32>
    %add3A_104 = arith.addi %mul3A_101, %add3A_103 : vector<16xi32>
    tpu.vector_store_idx %arg8[%add3A_104], %mul3A_95 : memref<256xf32, #tpu.memory_space<vmem>>[vector<16xi32>], vector<16xf32>,
    %add3A_105 = arith.constant 1 : i32
    %add3A_106 = vector.broadcast %add3A_105 : i32 to vector<16xi32>
    %add3A_107 = arith.addi %add3A_104, %add3A_106 : vector<16xi32>
    tpu.vector_store_idx %arg8[%add3A_107], %mul3A_98 : memref<256xf32, #tpu.memory_space<vmem>>[vector<16xi32>], vector<16xf32>,
    %broadcast_in_dim3A_108 = arith.constant 0.000000e+00 : f32
    %broadcast_in_dim3A_109 = vector.broadcast %broadcast_in_dim3A_108 : f32 to vector<16xf32>
    %broadcast_in_dim3A_110 = arith.constant 0.000000e+00 : f32
    %broadcast_in_dim3A_111 = vector.broadcast %broadcast_in_dim3A_110 : f32 to vector<16xf32>
    %scan3A_112 = arith.constant 0 : i32
    %scan3A_113 = arith.constant 50 : i32
    %scan3A_114 = arith.addi %scan3A_112, %scan3A_113 : i32
    %scan3A_115 = arith.constant 10 : i32
    %scan3A_116:2 = scf.for %scan3A_210 = %scan3A_112 to %scan3A_114 step %scan3A_115 iter_args(%scan3A_211 = %broadcast_in_dim3A_109, %scan3A_212 = %broadcast_in_dim3A_111) -> (vector<16xf32>, vector<16xf32>)  : i32 {
      %get3A = arith.index_cast %scan3A_210 : i32 to index
      %get3A_213 = arith.constant 64 : index
      %get3A_214 = tpu.vector_load %arg7[%get3A, %get3A_213] {strides = array<i32>} : memref<50x128xi32, #tpu.memory_space<vmem>>, vector<16xi32>,
      %gather3A = tpu.vector_load_idx %arg6[%get3A_214] : memref<114688xf32, #tpu.memory_space<vmem>>[vector<16xi32>], vector<16xf32>,
      %bitcast3A = vector.bitcast %gather3A : vector<16xf32> to vector<16xi32>
      %and3A = arith.constant -65536 : i32
      %and3A_215 = vector.broadcast %and3A : i32 to vector<16xi32>
      %and3A_216 = arith.andi %bitcast3A, %and3A_215 : vector<16xi32>
      %bitcast3A_217 = vector.bitcast %and3A_216 : vector<16xi32> to vector<16xf32>
      %shift_left3A = arith.constant 16 : i32
      %shift_left3A_218 = vector.broadcast %shift_left3A : i32 to vector<16xi32>
      %shift_left3A_219 = arith.shli %bitcast3A, %shift_left3A_218 : vector<16xi32>
      %bitcast3A_220 = vector.bitcast %shift_left3A_219 : vector<16xi32> to vector<16xf32>
      %add3A_221 = arith.addf %scan3A_211, %bitcast3A_217 : vector<16xf32>
      %add3A_222 = arith.addf %scan3A_212, %bitcast3A_220 : vector<16xf32>
      %scan3A_223 = arith.constant 1 : i32
      %scan3A_224 = arith.addi %scan3A_210, %scan3A_223 : i32
      %get3A_225 = arith.index_cast %scan3A_224 : i32 to index
      %get3A_226 = arith.constant 64 : index
      %get3A_227 = tpu.vector_load %arg7[%get3A_225, %get3A_226] {strides = array<i32>} : memref<50x128xi32, #tpu.memory_space<vmem>>, vector<16xi32>,
      %gather3A_228 = tpu.vector_load_idx %arg6[%get3A_227] : memref<114688xf32, #tpu.memory_space<vmem>>[vector<16xi32>], vector<16xf32>,
      %bitcast3A_229 = vector.bitcast %gather3A_228 : vector<16xf32> to vector<16xi32>
      %and3A_230 = arith.constant -65536 : i32
      %and3A_231 = vector.broadcast %and3A_230 : i32 to vector<16xi32>
      %and3A_232 = arith.andi %bitcast3A_229, %and3A_231 : vector<16xi32>
      %bitcast3A_233 = vector.bitcast %and3A_232 : vector<16xi32> to vector<16xf32>
      %shift_left3A_234 = arith.constant 16 : i32
      %shift_left3A_235 = vector.broadcast %shift_left3A_234 : i32 to vector<16xi32>
      %shift_left3A_236 = arith.shli %bitcast3A_229, %shift_left3A_235 : vector<16xi32>
      %bitcast3A_237 = vector.bitcast %shift_left3A_236 : vector<16xi32> to vector<16xf32>
      %add3A_238 = arith.addf %add3A_221, %bitcast3A_233 : vector<16xf32>
      %add3A_239 = arith.addf %add3A_222, %bitcast3A_237 : vector<16xf32>
      %scan3A_240 = arith.constant 2 : i32
      %scan3A_241 = arith.addi %scan3A_210, %scan3A_240 : i32
      %get3A_242 = arith.index_cast %scan3A_241 : i32 to index
      %get3A_243 = arith.constant 64 : index
      %get3A_244 = tpu.vector_load %arg7[%get3A_242, %get3A_243] {strides = array<i32>} : memref<50x128xi32, #tpu.memory_space<vmem>>, vector<16xi32>,
      %gather3A_245 = tpu.vector_load_idx %arg6[%get3A_244] : memref<114688xf32, #tpu.memory_space<vmem>>[vector<16xi32>], vector<16xf32>,
      %bitcast3A_246 = vector.bitcast %gather3A_245 : vector<16xf32> to vector<16xi32>
      %and3A_247 = arith.constant -65536 : i32
      %and3A_248 = vector.broadcast %and3A_247 : i32 to vector<16xi32>
      %and3A_249 = arith.andi %bitcast3A_246, %and3A_248 : vector<16xi32>
      %bitcast3A_250 = vector.bitcast %and3A_249 : vector<16xi32> to vector<16xf32>
      %shift_left3A_251 = arith.constant 16 : i32
      %shift_left3A_252 = vector.broadcast %shift_left3A_251 : i32 to vector<16xi32>
      %shift_left3A_253 = arith.shli %bitcast3A_246, %shift_left3A_252 : vector<16xi32>
      %bitcast3A_254 = vector.bitcast %shift_left3A_253 : vector<16xi32> to vector<16xf32>
      %add3A_255 = arith.addf %add3A_238, %bitcast3A_250 : vector<16xf32>
      %add3A_256 = arith.addf %add3A_239, %bitcast3A_254 : vector<16xf32>
      %scan3A_257 = arith.constant 3 : i32
      %scan3A_258 = arith.addi %scan3A_210, %scan3A_257 : i32
      %get3A_259 = arith.index_cast %scan3A_258 : i32 to index
      %get3A_260 = arith.constant 64 : index
      %get3A_261 = tpu.vector_load %arg7[%get3A_259, %get3A_260] {strides = array<i32>} : memref<50x128xi32, #tpu.memory_space<vmem>>, vector<16xi32>,
      %gather3A_262 = tpu.vector_load_idx %arg6[%get3A_261] : memref<114688xf32, #tpu.memory_space<vmem>>[vector<16xi32>], vector<16xf32>,
      %bitcast3A_263 = vector.bitcast %gather3A_262 : vector<16xf32> to vector<16xi32>
      %and3A_264 = arith.constant -65536 : i32
      %and3A_265 = vector.broadcast %and3A_264 : i32 to vector<16xi32>
      %and3A_266 = arith.andi %bitcast3A_263, %and3A_265 : vector<16xi32>
      %bitcast3A_267 = vector.bitcast %and3A_266 : vector<16xi32> to vector<16xf32>
      %shift_left3A_268 = arith.constant 16 : i32
      %shift_left3A_269 = vector.broadcast %shift_left3A_268 : i32 to vector<16xi32>
      %shift_left3A_270 = arith.shli %bitcast3A_263, %shift_left3A_269 : vector<16xi32>
      %bitcast3A_271 = vector.bitcast %shift_left3A_270 : vector<16xi32> to vector<16xf32>
      %add3A_272 = arith.addf %add3A_255, %bitcast3A_267 : vector<16xf32>
      %add3A_273 = arith.addf %add3A_256, %bitcast3A_271 : vector<16xf32>
      %scan3A_274 = arith.constant 4 : i32
      %scan3A_275 = arith.addi %scan3A_210, %scan3A_274 : i32
      %get3A_276 = arith.index_cast %scan3A_275 : i32 to index
      %get3A_277 = arith.constant 64 : index
      %get3A_278 = tpu.vector_load %arg7[%get3A_276, %get3A_277] {strides = array<i32>} : memref<50x128xi32, #tpu.memory_space<vmem>>, vector<16xi32>,
      %gather3A_279 = tpu.vector_load_idx %arg6[%get3A_278] : memref<114688xf32, #tpu.memory_space<vmem>>[vector<16xi32>], vector<16xf32>,
      %bitcast3A_280 = vector.bitcast %gather3A_279 : vector<16xf32> to vector<16xi32>
      %and3A_281 = arith.constant -65536 : i32
      %and3A_282 = vector.broadcast %and3A_281 : i32 to vector<16xi32>
      %and3A_283 = arith.andi %bitcast3A_280, %and3A_282 : vector<16xi32>
      %bitcast3A_284 = vector.bitcast %and3A_283 : vector<16xi32> to vector<16xf32>
      %shift_left3A_285 = arith.constant 16 : i32
      %shift_left3A_286 = vector.broadcast %shift_left3A_285 : i32 to vector<16xi32>
      %shift_left3A_287 = arith.shli %bitcast3A_280, %shift_left3A_286 : vector<16xi32>
      %bitcast3A_288 = vector.bitcast %shift_left3A_287 : vector<16xi32> to vector<16xf32>
      %add3A_289 = arith.addf %add3A_272, %bitcast3A_284 : vector<16xf32>
      %add3A_290 = arith.addf %add3A_273, %bitcast3A_288 : vector<16xf32>
      %scan3A_291 = arith.constant 5 : i32
      %scan3A_292 = arith.addi %scan3A_210, %scan3A_291 : i32
      %get3A_293 = arith.index_cast %scan3A_292 : i32 to index
      %get3A_294 = arith.constant 64 : index
      %get3A_295 = tpu.vector_load %arg7[%get3A_293, %get3A_294] {strides = array<i32>} : memref<50x128xi32, #tpu.memory_space<vmem>>, vector<16xi32>,
      %gather3A_296 = tpu.vector_load_idx %arg6[%get3A_295] : memref<114688xf32, #tpu.memory_space<vmem>>[vector<16xi32>], vector<16xf32>,
      %bitcast3A_297 = vector.bitcast %gather3A_296 : vector<16xf32> to vector<16xi32>
      %and3A_298 = arith.constant -65536 : i32
      %and3A_299 = vector.broadcast %and3A_298 : i32 to vector<16xi32>
      %and3A_300 = arith.andi %bitcast3A_297, %and3A_299 : vector<16xi32>
      %bitcast3A_301 = vector.bitcast %and3A_300 : vector<16xi32> to vector<16xf32>
      %shift_left3A_302 = arith.constant 16 : i32
      %shift_left3A_303 = vector.broadcast %shift_left3A_302 : i32 to vector<16xi32>
      %shift_left3A_304 = arith.shli %bitcast3A_297, %shift_left3A_303 : vector<16xi32>
      %bitcast3A_305 = vector.bitcast %shift_left3A_304 : vector<16xi32> to vector<16xf32>
      %add3A_306 = arith.addf %add3A_289, %bitcast3A_301 : vector<16xf32>
      %add3A_307 = arith.addf %add3A_290, %bitcast3A_305 : vector<16xf32>
      %scan3A_308 = arith.constant 6 : i32
      %scan3A_309 = arith.addi %scan3A_210, %scan3A_308 : i32
      %get3A_310 = arith.index_cast %scan3A_309 : i32 to index
      %get3A_311 = arith.constant 64 : index
      %get3A_312 = tpu.vector_load %arg7[%get3A_310, %get3A_311] {strides = array<i32>} : memref<50x128xi32, #tpu.memory_space<vmem>>, vector<16xi32>,
      %gather3A_313 = tpu.vector_load_idx %arg6[%get3A_312] : memref<114688xf32, #tpu.memory_space<vmem>>[vector<16xi32>], vector<16xf32>,
      %bitcast3A_314 = vector.bitcast %gather3A_313 : vector<16xf32> to vector<16xi32>
      %and3A_315 = arith.constant -65536 : i32
      %and3A_316 = vector.broadcast %and3A_315 : i32 to vector<16xi32>
      %and3A_317 = arith.andi %bitcast3A_314, %and3A_316 : vector<16xi32>
      %bitcast3A_318 = vector.bitcast %and3A_317 : vector<16xi32> to vector<16xf32>
      %shift_left3A_319 = arith.constant 16 : i32
      %shift_left3A_320 = vector.broadcast %shift_left3A_319 : i32 to vector<16xi32>
      %shift_left3A_321 = arith.shli %bitcast3A_314, %shift_left3A_320 : vector<16xi32>
      %bitcast3A_322 = vector.bitcast %shift_left3A_321 : vector<16xi32> to vector<16xf32>
      %add3A_323 = arith.addf %add3A_306, %bitcast3A_318 : vector<16xf32>
      %add3A_324 = arith.addf %add3A_307, %bitcast3A_322 : vector<16xf32>
      %scan3A_325 = arith.constant 7 : i32
      %scan3A_326 = arith.addi %scan3A_210, %scan3A_325 : i32
      %get3A_327 = arith.index_cast %scan3A_326 : i32 to index
      %get3A_328 = arith.constant 64 : index
      %get3A_329 = tpu.vector_load %arg7[%get3A_327, %get3A_328] {strides = array<i32>} : memref<50x128xi32, #tpu.memory_space<vmem>>, vector<16xi32>,
      %gather3A_330 = tpu.vector_load_idx %arg6[%get3A_329] : memref<114688xf32, #tpu.memory_space<vmem>>[vector<16xi32>], vector<16xf32>,
      %bitcast3A_331 = vector.bitcast %gather3A_330 : vector<16xf32> to vector<16xi32>
      %and3A_332 = arith.constant -65536 : i32
      %and3A_333 = vector.broadcast %and3A_332 : i32 to vector<16xi32>
      %and3A_334 = arith.andi %bitcast3A_331, %and3A_333 : vector<16xi32>
      %bitcast3A_335 = vector.bitcast %and3A_334 : vector<16xi32> to vector<16xf32>
      %shift_left3A_336 = arith.constant 16 : i32
      %shift_left3A_337 = vector.broadcast %shift_left3A_336 : i32 to vector<16xi32>
      %shift_left3A_338 = arith.shli %bitcast3A_331, %shift_left3A_337 : vector<16xi32>
      %bitcast3A_339 = vector.bitcast %shift_left3A_338 : vector<16xi32> to vector<16xf32>
      %add3A_340 = arith.addf %add3A_323, %bitcast3A_335 : vector<16xf32>
      %add3A_341 = arith.addf %add3A_324, %bitcast3A_339 : vector<16xf32>
      %scan3A_342 = arith.constant 8 : i32
      %scan3A_343 = arith.addi %scan3A_210, %scan3A_342 : i32
      %get3A_344 = arith.index_cast %scan3A_343 : i32 to index
      %get3A_345 = arith.constant 64 : index
      %get3A_346 = tpu.vector_load %arg7[%get3A_344, %get3A_345] {strides = array<i32>} : memref<50x128xi32, #tpu.memory_space<vmem>>, vector<16xi32>,
      %gather3A_347 = tpu.vector_load_idx %arg6[%get3A_346] : memref<114688xf32, #tpu.memory_space<vmem>>[vector<16xi32>], vector<16xf32>,
      %bitcast3A_348 = vector.bitcast %gather3A_347 : vector<16xf32> to vector<16xi32>
      %and3A_349 = arith.constant -65536 : i32
      %and3A_350 = vector.broadcast %and3A_349 : i32 to vector<16xi32>
      %and3A_351 = arith.andi %bitcast3A_348, %and3A_350 : vector<16xi32>
      %bitcast3A_352 = vector.bitcast %and3A_351 : vector<16xi32> to vector<16xf32>
      %shift_left3A_353 = arith.constant 16 : i32
      %shift_left3A_354 = vector.broadcast %shift_left3A_353 : i32 to vector<16xi32>
      %shift_left3A_355 = arith.shli %bitcast3A_348, %shift_left3A_354 : vector<16xi32>
      %bitcast3A_356 = vector.bitcast %shift_left3A_355 : vector<16xi32> to vector<16xf32>
      %add3A_357 = arith.addf %add3A_340, %bitcast3A_352 : vector<16xf32>
      %add3A_358 = arith.addf %add3A_341, %bitcast3A_356 : vector<16xf32>
      %scan3A_359 = arith.constant 9 : i32
      %scan3A_360 = arith.addi %scan3A_210, %scan3A_359 : i32
      %get3A_361 = arith.index_cast %scan3A_360 : i32 to index
      %get3A_362 = arith.constant 64 : index
      %get3A_363 = tpu.vector_load %arg7[%get3A_361, %get3A_362] {strides = array<i32>} : memref<50x128xi32, #tpu.memory_space<vmem>>, vector<16xi32>,
      %gather3A_364 = tpu.vector_load_idx %arg6[%get3A_363] : memref<114688xf32, #tpu.memory_space<vmem>>[vector<16xi32>], vector<16xf32>,
      %bitcast3A_365 = vector.bitcast %gather3A_364 : vector<16xf32> to vector<16xi32>
      %and3A_366 = arith.constant -65536 : i32
      %and3A_367 = vector.broadcast %and3A_366 : i32 to vector<16xi32>
      %and3A_368 = arith.andi %bitcast3A_365, %and3A_367 : vector<16xi32>
      %bitcast3A_369 = vector.bitcast %and3A_368 : vector<16xi32> to vector<16xf32>
      %shift_left3A_370 = arith.constant 16 : i32
      %shift_left3A_371 = vector.broadcast %shift_left3A_370 : i32 to vector<16xi32>
      %shift_left3A_372 = arith.shli %bitcast3A_365, %shift_left3A_371 : vector<16xi32>
      %bitcast3A_373 = vector.bitcast %shift_left3A_372 : vector<16xi32> to vector<16xf32>
      %add3A_374 = arith.addf %add3A_357, %bitcast3A_369 : vector<16xf32>
      %add3A_375 = arith.addf %add3A_358, %bitcast3A_373 : vector<16xf32>
      scf.yield %add3A_374, %add3A_375 : vector<16xf32>, vector<16xf32>
    }
    %scan3A_117 = arith.constant 50 : i32
    %mul3A_118 = arith.constant 2.000000e-02 : f32
    %mul3A_119 = vector.broadcast %mul3A_118 : f32 to vector<16xf32>
    %mul3A_120 = arith.mulf %scan3A_116#0, %mul3A_119 : vector<16xf32>
    %mul3A_121 = arith.constant 2.000000e-02 : f32
    %mul3A_122 = vector.broadcast %mul3A_121 : f32 to vector<16xf32>
    %mul3A_123 = arith.mulf %scan3A_116#1, %mul3A_122 : vector<16xf32>
    %mul3A_124 = arith.constant 2 : i32
    %mul3A_125 = vector.broadcast %mul3A_124 : i32 to vector<16xi32>
    %mul3A_126 = arith.muli %iota3A, %mul3A_125 : vector<16xi32>
    %add3A_127 = arith.constant 128 : i32
    %add3A_128 = vector.broadcast %add3A_127 : i32 to vector<16xi32>
    %add3A_129 = arith.addi %mul3A_126, %add3A_128 : vector<16xi32>
    tpu.vector_store_idx %arg8[%add3A_129], %mul3A_120 : memref<256xf32, #tpu.memory_space<vmem>>[vector<16xi32>], vector<16xf32>,
    %add3A_130 = arith.constant 1 : i32
    %add3A_131 = vector.broadcast %add3A_130 : i32 to vector<16xi32>
    %add3A_132 = arith.addi %add3A_129, %add3A_131 : vector<16xi32>
    tpu.vector_store_idx %arg8[%add3A_132], %mul3A_123 : memref<256xf32, #tpu.memory_space<vmem>>[vector<16xi32>], vector<16xf32>,
    %broadcast_in_dim3A_133 = arith.constant 0.000000e+00 : f32
    %broadcast_in_dim3A_134 = vector.broadcast %broadcast_in_dim3A_133 : f32 to vector<16xf32>
    %broadcast_in_dim3A_135 = arith.constant 0.000000e+00 : f32
    %broadcast_in_dim3A_136 = vector.broadcast %broadcast_in_dim3A_135 : f32 to vector<16xf32>
    %scan3A_137 = arith.constant 0 : i32
    %scan3A_138 = arith.constant 50 : i32
    %scan3A_139 = arith.addi %scan3A_137, %scan3A_138 : i32
    %scan3A_140 = arith.constant 10 : i32
    %scan3A_141:2 = scf.for %scan3A_210 = %scan3A_137 to %scan3A_139 step %scan3A_140 iter_args(%scan3A_211 = %broadcast_in_dim3A_134, %scan3A_212 = %broadcast_in_dim3A_136) -> (vector<16xf32>, vector<16xf32>)  : i32 {
      %get3A = arith.index_cast %scan3A_210 : i32 to index
      %get3A_213 = arith.constant 80 : index
      %get3A_214 = tpu.vector_load %arg7[%get3A, %get3A_213] {strides = array<i32>} : memref<50x128xi32, #tpu.memory_space<vmem>>, vector<16xi32>,
      %gather3A = tpu.vector_load_idx %arg6[%get3A_214] : memref<114688xf32, #tpu.memory_space<vmem>>[vector<16xi32>], vector<16xf32>,
      %bitcast3A = vector.bitcast %gather3A : vector<16xf32> to vector<16xi32>
      %and3A = arith.constant -65536 : i32
      %and3A_215 = vector.broadcast %and3A : i32 to vector<16xi32>
      %and3A_216 = arith.andi %bitcast3A, %and3A_215 : vector<16xi32>
      %bitcast3A_217 = vector.bitcast %and3A_216 : vector<16xi32> to vector<16xf32>
      %shift_left3A = arith.constant 16 : i32
      %shift_left3A_218 = vector.broadcast %shift_left3A : i32 to vector<16xi32>
      %shift_left3A_219 = arith.shli %bitcast3A, %shift_left3A_218 : vector<16xi32>
      %bitcast3A_220 = vector.bitcast %shift_left3A_219 : vector<16xi32> to vector<16xf32>
      %add3A_221 = arith.addf %scan3A_211, %bitcast3A_217 : vector<16xf32>
      %add3A_222 = arith.addf %scan3A_212, %bitcast3A_220 : vector<16xf32>
      %scan3A_223 = arith.constant 1 : i32
      %scan3A_224 = arith.addi %scan3A_210, %scan3A_223 : i32
      %get3A_225 = arith.index_cast %scan3A_224 : i32 to index
      %get3A_226 = arith.constant 80 : index
      %get3A_227 = tpu.vector_load %arg7[%get3A_225, %get3A_226] {strides = array<i32>} : memref<50x128xi32, #tpu.memory_space<vmem>>, vector<16xi32>,
      %gather3A_228 = tpu.vector_load_idx %arg6[%get3A_227] : memref<114688xf32, #tpu.memory_space<vmem>>[vector<16xi32>], vector<16xf32>,
      %bitcast3A_229 = vector.bitcast %gather3A_228 : vector<16xf32> to vector<16xi32>
      %and3A_230 = arith.constant -65536 : i32
      %and3A_231 = vector.broadcast %and3A_230 : i32 to vector<16xi32>
      %and3A_232 = arith.andi %bitcast3A_229, %and3A_231 : vector<16xi32>
      %bitcast3A_233 = vector.bitcast %and3A_232 : vector<16xi32> to vector<16xf32>
      %shift_left3A_234 = arith.constant 16 : i32
      %shift_left3A_235 = vector.broadcast %shift_left3A_234 : i32 to vector<16xi32>
      %shift_left3A_236 = arith.shli %bitcast3A_229, %shift_left3A_235 : vector<16xi32>
      %bitcast3A_237 = vector.bitcast %shift_left3A_236 : vector<16xi32> to vector<16xf32>
      %add3A_238 = arith.addf %add3A_221, %bitcast3A_233 : vector<16xf32>
      %add3A_239 = arith.addf %add3A_222, %bitcast3A_237 : vector<16xf32>
      %scan3A_240 = arith.constant 2 : i32
      %scan3A_241 = arith.addi %scan3A_210, %scan3A_240 : i32
      %get3A_242 = arith.index_cast %scan3A_241 : i32 to index
      %get3A_243 = arith.constant 80 : index
      %get3A_244 = tpu.vector_load %arg7[%get3A_242, %get3A_243] {strides = array<i32>} : memref<50x128xi32, #tpu.memory_space<vmem>>, vector<16xi32>,
      %gather3A_245 = tpu.vector_load_idx %arg6[%get3A_244] : memref<114688xf32, #tpu.memory_space<vmem>>[vector<16xi32>], vector<16xf32>,
      %bitcast3A_246 = vector.bitcast %gather3A_245 : vector<16xf32> to vector<16xi32>
      %and3A_247 = arith.constant -65536 : i32
      %and3A_248 = vector.broadcast %and3A_247 : i32 to vector<16xi32>
      %and3A_249 = arith.andi %bitcast3A_246, %and3A_248 : vector<16xi32>
      %bitcast3A_250 = vector.bitcast %and3A_249 : vector<16xi32> to vector<16xf32>
      %shift_left3A_251 = arith.constant 16 : i32
      %shift_left3A_252 = vector.broadcast %shift_left3A_251 : i32 to vector<16xi32>
      %shift_left3A_253 = arith.shli %bitcast3A_246, %shift_left3A_252 : vector<16xi32>
      %bitcast3A_254 = vector.bitcast %shift_left3A_253 : vector<16xi32> to vector<16xf32>
      %add3A_255 = arith.addf %add3A_238, %bitcast3A_250 : vector<16xf32>
      %add3A_256 = arith.addf %add3A_239, %bitcast3A_254 : vector<16xf32>
      %scan3A_257 = arith.constant 3 : i32
      %scan3A_258 = arith.addi %scan3A_210, %scan3A_257 : i32
      %get3A_259 = arith.index_cast %scan3A_258 : i32 to index
      %get3A_260 = arith.constant 80 : index
      %get3A_261 = tpu.vector_load %arg7[%get3A_259, %get3A_260] {strides = array<i32>} : memref<50x128xi32, #tpu.memory_space<vmem>>, vector<16xi32>,
      %gather3A_262 = tpu.vector_load_idx %arg6[%get3A_261] : memref<114688xf32, #tpu.memory_space<vmem>>[vector<16xi32>], vector<16xf32>,
      %bitcast3A_263 = vector.bitcast %gather3A_262 : vector<16xf32> to vector<16xi32>
      %and3A_264 = arith.constant -65536 : i32
      %and3A_265 = vector.broadcast %and3A_264 : i32 to vector<16xi32>
      %and3A_266 = arith.andi %bitcast3A_263, %and3A_265 : vector<16xi32>
      %bitcast3A_267 = vector.bitcast %and3A_266 : vector<16xi32> to vector<16xf32>
      %shift_left3A_268 = arith.constant 16 : i32
      %shift_left3A_269 = vector.broadcast %shift_left3A_268 : i32 to vector<16xi32>
      %shift_left3A_270 = arith.shli %bitcast3A_263, %shift_left3A_269 : vector<16xi32>
      %bitcast3A_271 = vector.bitcast %shift_left3A_270 : vector<16xi32> to vector<16xf32>
      %add3A_272 = arith.addf %add3A_255, %bitcast3A_267 : vector<16xf32>
      %add3A_273 = arith.addf %add3A_256, %bitcast3A_271 : vector<16xf32>
      %scan3A_274 = arith.constant 4 : i32
      %scan3A_275 = arith.addi %scan3A_210, %scan3A_274 : i32
      %get3A_276 = arith.index_cast %scan3A_275 : i32 to index
      %get3A_277 = arith.constant 80 : index
      %get3A_278 = tpu.vector_load %arg7[%get3A_276, %get3A_277] {strides = array<i32>} : memref<50x128xi32, #tpu.memory_space<vmem>>, vector<16xi32>,
      %gather3A_279 = tpu.vector_load_idx %arg6[%get3A_278] : memref<114688xf32, #tpu.memory_space<vmem>>[vector<16xi32>], vector<16xf32>,
      %bitcast3A_280 = vector.bitcast %gather3A_279 : vector<16xf32> to vector<16xi32>
      %and3A_281 = arith.constant -65536 : i32
      %and3A_282 = vector.broadcast %and3A_281 : i32 to vector<16xi32>
      %and3A_283 = arith.andi %bitcast3A_280, %and3A_282 : vector<16xi32>
      %bitcast3A_284 = vector.bitcast %and3A_283 : vector<16xi32> to vector<16xf32>
      %shift_left3A_285 = arith.constant 16 : i32
      %shift_left3A_286 = vector.broadcast %shift_left3A_285 : i32 to vector<16xi32>
      %shift_left3A_287 = arith.shli %bitcast3A_280, %shift_left3A_286 : vector<16xi32>
      %bitcast3A_288 = vector.bitcast %shift_left3A_287 : vector<16xi32> to vector<16xf32>
      %add3A_289 = arith.addf %add3A_272, %bitcast3A_284 : vector<16xf32>
      %add3A_290 = arith.addf %add3A_273, %bitcast3A_288 : vector<16xf32>
      %scan3A_291 = arith.constant 5 : i32
      %scan3A_292 = arith.addi %scan3A_210, %scan3A_291 : i32
      %get3A_293 = arith.index_cast %scan3A_292 : i32 to index
      %get3A_294 = arith.constant 80 : index
      %get3A_295 = tpu.vector_load %arg7[%get3A_293, %get3A_294] {strides = array<i32>} : memref<50x128xi32, #tpu.memory_space<vmem>>, vector<16xi32>,
      %gather3A_296 = tpu.vector_load_idx %arg6[%get3A_295] : memref<114688xf32, #tpu.memory_space<vmem>>[vector<16xi32>], vector<16xf32>,
      %bitcast3A_297 = vector.bitcast %gather3A_296 : vector<16xf32> to vector<16xi32>
      %and3A_298 = arith.constant -65536 : i32
      %and3A_299 = vector.broadcast %and3A_298 : i32 to vector<16xi32>
      %and3A_300 = arith.andi %bitcast3A_297, %and3A_299 : vector<16xi32>
      %bitcast3A_301 = vector.bitcast %and3A_300 : vector<16xi32> to vector<16xf32>
      %shift_left3A_302 = arith.constant 16 : i32
      %shift_left3A_303 = vector.broadcast %shift_left3A_302 : i32 to vector<16xi32>
      %shift_left3A_304 = arith.shli %bitcast3A_297, %shift_left3A_303 : vector<16xi32>
      %bitcast3A_305 = vector.bitcast %shift_left3A_304 : vector<16xi32> to vector<16xf32>
      %add3A_306 = arith.addf %add3A_289, %bitcast3A_301 : vector<16xf32>
      %add3A_307 = arith.addf %add3A_290, %bitcast3A_305 : vector<16xf32>
      %scan3A_308 = arith.constant 6 : i32
      %scan3A_309 = arith.addi %scan3A_210, %scan3A_308 : i32
      %get3A_310 = arith.index_cast %scan3A_309 : i32 to index
      %get3A_311 = arith.constant 80 : index
      %get3A_312 = tpu.vector_load %arg7[%get3A_310, %get3A_311] {strides = array<i32>} : memref<50x128xi32, #tpu.memory_space<vmem>>, vector<16xi32>,
      %gather3A_313 = tpu.vector_load_idx %arg6[%get3A_312] : memref<114688xf32, #tpu.memory_space<vmem>>[vector<16xi32>], vector<16xf32>,
      %bitcast3A_314 = vector.bitcast %gather3A_313 : vector<16xf32> to vector<16xi32>
      %and3A_315 = arith.constant -65536 : i32
      %and3A_316 = vector.broadcast %and3A_315 : i32 to vector<16xi32>
      %and3A_317 = arith.andi %bitcast3A_314, %and3A_316 : vector<16xi32>
      %bitcast3A_318 = vector.bitcast %and3A_317 : vector<16xi32> to vector<16xf32>
      %shift_left3A_319 = arith.constant 16 : i32
      %shift_left3A_320 = vector.broadcast %shift_left3A_319 : i32 to vector<16xi32>
      %shift_left3A_321 = arith.shli %bitcast3A_314, %shift_left3A_320 : vector<16xi32>
      %bitcast3A_322 = vector.bitcast %shift_left3A_321 : vector<16xi32> to vector<16xf32>
      %add3A_323 = arith.addf %add3A_306, %bitcast3A_318 : vector<16xf32>
      %add3A_324 = arith.addf %add3A_307, %bitcast3A_322 : vector<16xf32>
      %scan3A_325 = arith.constant 7 : i32
      %scan3A_326 = arith.addi %scan3A_210, %scan3A_325 : i32
      %get3A_327 = arith.index_cast %scan3A_326 : i32 to index
      %get3A_328 = arith.constant 80 : index
      %get3A_329 = tpu.vector_load %arg7[%get3A_327, %get3A_328] {strides = array<i32>} : memref<50x128xi32, #tpu.memory_space<vmem>>, vector<16xi32>,
      %gather3A_330 = tpu.vector_load_idx %arg6[%get3A_329] : memref<114688xf32, #tpu.memory_space<vmem>>[vector<16xi32>], vector<16xf32>,
      %bitcast3A_331 = vector.bitcast %gather3A_330 : vector<16xf32> to vector<16xi32>
      %and3A_332 = arith.constant -65536 : i32
      %and3A_333 = vector.broadcast %and3A_332 : i32 to vector<16xi32>
      %and3A_334 = arith.andi %bitcast3A_331, %and3A_333 : vector<16xi32>
      %bitcast3A_335 = vector.bitcast %and3A_334 : vector<16xi32> to vector<16xf32>
      %shift_left3A_336 = arith.constant 16 : i32
      %shift_left3A_337 = vector.broadcast %shift_left3A_336 : i32 to vector<16xi32>
      %shift_left3A_338 = arith.shli %bitcast3A_331, %shift_left3A_337 : vector<16xi32>
      %bitcast3A_339 = vector.bitcast %shift_left3A_338 : vector<16xi32> to vector<16xf32>
      %add3A_340 = arith.addf %add3A_323, %bitcast3A_335 : vector<16xf32>
      %add3A_341 = arith.addf %add3A_324, %bitcast3A_339 : vector<16xf32>
      %scan3A_342 = arith.constant 8 : i32
      %scan3A_343 = arith.addi %scan3A_210, %scan3A_342 : i32
      %get3A_344 = arith.index_cast %scan3A_343 : i32 to index
      %get3A_345 = arith.constant 80 : index
      %get3A_346 = tpu.vector_load %arg7[%get3A_344, %get3A_345] {strides = array<i32>} : memref<50x128xi32, #tpu.memory_space<vmem>>, vector<16xi32>,
      %gather3A_347 = tpu.vector_load_idx %arg6[%get3A_346] : memref<114688xf32, #tpu.memory_space<vmem>>[vector<16xi32>], vector<16xf32>,
      %bitcast3A_348 = vector.bitcast %gather3A_347 : vector<16xf32> to vector<16xi32>
      %and3A_349 = arith.constant -65536 : i32
      %and3A_350 = vector.broadcast %and3A_349 : i32 to vector<16xi32>
      %and3A_351 = arith.andi %bitcast3A_348, %and3A_350 : vector<16xi32>
      %bitcast3A_352 = vector.bitcast %and3A_351 : vector<16xi32> to vector<16xf32>
      %shift_left3A_353 = arith.constant 16 : i32
      %shift_left3A_354 = vector.broadcast %shift_left3A_353 : i32 to vector<16xi32>
      %shift_left3A_355 = arith.shli %bitcast3A_348, %shift_left3A_354 : vector<16xi32>
      %bitcast3A_356 = vector.bitcast %shift_left3A_355 : vector<16xi32> to vector<16xf32>
      %add3A_357 = arith.addf %add3A_340, %bitcast3A_352 : vector<16xf32>
      %add3A_358 = arith.addf %add3A_341, %bitcast3A_356 : vector<16xf32>
      %scan3A_359 = arith.constant 9 : i32
      %scan3A_360 = arith.addi %scan3A_210, %scan3A_359 : i32
      %get3A_361 = arith.index_cast %scan3A_360 : i32 to index
      %get3A_362 = arith.constant 80 : index
      %get3A_363 = tpu.vector_load %arg7[%get3A_361, %get3A_362] {strides = array<i32>} : memref<50x128xi32, #tpu.memory_space<vmem>>, vector<16xi32>,
      %gather3A_364 = tpu.vector_load_idx %arg6[%get3A_363] : memref<114688xf32, #tpu.memory_space<vmem>>[vector<16xi32>], vector<16xf32>,
      %bitcast3A_365 = vector.bitcast %gather3A_364 : vector<16xf32> to vector<16xi32>
      %and3A_366 = arith.constant -65536 : i32
      %and3A_367 = vector.broadcast %and3A_366 : i32 to vector<16xi32>
      %and3A_368 = arith.andi %bitcast3A_365, %and3A_367 : vector<16xi32>
      %bitcast3A_369 = vector.bitcast %and3A_368 : vector<16xi32> to vector<16xf32>
      %shift_left3A_370 = arith.constant 16 : i32
      %shift_left3A_371 = vector.broadcast %shift_left3A_370 : i32 to vector<16xi32>
      %shift_left3A_372 = arith.shli %bitcast3A_365, %shift_left3A_371 : vector<16xi32>
      %bitcast3A_373 = vector.bitcast %shift_left3A_372 : vector<16xi32> to vector<16xf32>
      %add3A_374 = arith.addf %add3A_357, %bitcast3A_369 : vector<16xf32>
      %add3A_375 = arith.addf %add3A_358, %bitcast3A_373 : vector<16xf32>
      scf.yield %add3A_374, %add3A_375 : vector<16xf32>, vector<16xf32>
    }
    %scan3A_142 = arith.constant 50 : i32
    %mul3A_143 = arith.constant 2.000000e-02 : f32
    %mul3A_144 = vector.broadcast %mul3A_143 : f32 to vector<16xf32>
    %mul3A_145 = arith.mulf %scan3A_141#0, %mul3A_144 : vector<16xf32>
    %mul3A_146 = arith.constant 2.000000e-02 : f32
    %mul3A_147 = vector.broadcast %mul3A_146 : f32 to vector<16xf32>
    %mul3A_148 = arith.mulf %scan3A_141#1, %mul3A_147 : vector<16xf32>
    %mul3A_149 = arith.constant 2 : i32
    %mul3A_150 = vector.broadcast %mul3A_149 : i32 to vector<16xi32>
    %mul3A_151 = arith.muli %iota3A, %mul3A_150 : vector<16xi32>
    %add3A_152 = arith.constant 160 : i32
    %add3A_153 = vector.broadcast %add3A_152 : i32 to vector<16xi32>
    %add3A_154 = arith.addi %mul3A_151, %add3A_153 : vector<16xi32>
    tpu.vector_store_idx %arg8[%add3A_154], %mul3A_145 : memref<256xf32, #tpu.memory_space<vmem>>[vector<16xi32>], vector<16xf32>,
    %add3A_155 = arith.constant 1 : i32
    %add3A_156 = vector.broadcast %add3A_155 : i32 to vector<16xi32>
    %add3A_157 = arith.addi %add3A_154, %add3A_156 : vector<16xi32>
    tpu.vector_store_idx %arg8[%add3A_157], %mul3A_148 : memref<256xf32, #tpu.memory_space<vmem>>[vector<16xi32>], vector<16xf32>,
    %broadcast_in_dim3A_158 = arith.constant 0.000000e+00 : f32
    %broadcast_in_dim3A_159 = vector.broadcast %broadcast_in_dim3A_158 : f32 to vector<16xf32>
    %broadcast_in_dim3A_160 = arith.constant 0.000000e+00 : f32
    %broadcast_in_dim3A_161 = vector.broadcast %broadcast_in_dim3A_160 : f32 to vector<16xf32>
    %scan3A_162 = arith.constant 0 : i32
    %scan3A_163 = arith.constant 50 : i32
    %scan3A_164 = arith.addi %scan3A_162, %scan3A_163 : i32
    %scan3A_165 = arith.constant 10 : i32
    %scan3A_166:2 = scf.for %scan3A_210 = %scan3A_162 to %scan3A_164 step %scan3A_165 iter_args(%scan3A_211 = %broadcast_in_dim3A_159, %scan3A_212 = %broadcast_in_dim3A_161) -> (vector<16xf32>, vector<16xf32>)  : i32 {
      %get3A = arith.index_cast %scan3A_210 : i32 to index
      %get3A_213 = arith.constant 96 : index
      %get3A_214 = tpu.vector_load %arg7[%get3A, %get3A_213] {strides = array<i32>} : memref<50x128xi32, #tpu.memory_space<vmem>>, vector<16xi32>,
      %gather3A = tpu.vector_load_idx %arg6[%get3A_214] : memref<114688xf32, #tpu.memory_space<vmem>>[vector<16xi32>], vector<16xf32>,
      %bitcast3A = vector.bitcast %gather3A : vector<16xf32> to vector<16xi32>
      %and3A = arith.constant -65536 : i32
      %and3A_215 = vector.broadcast %and3A : i32 to vector<16xi32>
      %and3A_216 = arith.andi %bitcast3A, %and3A_215 : vector<16xi32>
      %bitcast3A_217 = vector.bitcast %and3A_216 : vector<16xi32> to vector<16xf32>
      %shift_left3A = arith.constant 16 : i32
      %shift_left3A_218 = vector.broadcast %shift_left3A : i32 to vector<16xi32>
      %shift_left3A_219 = arith.shli %bitcast3A, %shift_left3A_218 : vector<16xi32>
      %bitcast3A_220 = vector.bitcast %shift_left3A_219 : vector<16xi32> to vector<16xf32>
      %add3A_221 = arith.addf %scan3A_211, %bitcast3A_217 : vector<16xf32>
      %add3A_222 = arith.addf %scan3A_212, %bitcast3A_220 : vector<16xf32>
      %scan3A_223 = arith.constant 1 : i32
      %scan3A_224 = arith.addi %scan3A_210, %scan3A_223 : i32
      %get3A_225 = arith.index_cast %scan3A_224 : i32 to index
      %get3A_226 = arith.constant 96 : index
      %get3A_227 = tpu.vector_load %arg7[%get3A_225, %get3A_226] {strides = array<i32>} : memref<50x128xi32, #tpu.memory_space<vmem>>, vector<16xi32>,
      %gather3A_228 = tpu.vector_load_idx %arg6[%get3A_227] : memref<114688xf32, #tpu.memory_space<vmem>>[vector<16xi32>], vector<16xf32>,
      %bitcast3A_229 = vector.bitcast %gather3A_228 : vector<16xf32> to vector<16xi32>
      %and3A_230 = arith.constant -65536 : i32
      %and3A_231 = vector.broadcast %and3A_230 : i32 to vector<16xi32>
      %and3A_232 = arith.andi %bitcast3A_229, %and3A_231 : vector<16xi32>
      %bitcast3A_233 = vector.bitcast %and3A_232 : vector<16xi32> to vector<16xf32>
      %shift_left3A_234 = arith.constant 16 : i32
      %shift_left3A_235 = vector.broadcast %shift_left3A_234 : i32 to vector<16xi32>
      %shift_left3A_236 = arith.shli %bitcast3A_229, %shift_left3A_235 : vector<16xi32>
      %bitcast3A_237 = vector.bitcast %shift_left3A_236 : vector<16xi32> to vector<16xf32>
      %add3A_238 = arith.addf %add3A_221, %bitcast3A_233 : vector<16xf32>
      %add3A_239 = arith.addf %add3A_222, %bitcast3A_237 : vector<16xf32>
      %scan3A_240 = arith.constant 2 : i32
      %scan3A_241 = arith.addi %scan3A_210, %scan3A_240 : i32
      %get3A_242 = arith.index_cast %scan3A_241 : i32 to index
      %get3A_243 = arith.constant 96 : index
      %get3A_244 = tpu.vector_load %arg7[%get3A_242, %get3A_243] {strides = array<i32>} : memref<50x128xi32, #tpu.memory_space<vmem>>, vector<16xi32>,
      %gather3A_245 = tpu.vector_load_idx %arg6[%get3A_244] : memref<114688xf32, #tpu.memory_space<vmem>>[vector<16xi32>], vector<16xf32>,
      %bitcast3A_246 = vector.bitcast %gather3A_245 : vector<16xf32> to vector<16xi32>
      %and3A_247 = arith.constant -65536 : i32
      %and3A_248 = vector.broadcast %and3A_247 : i32 to vector<16xi32>
      %and3A_249 = arith.andi %bitcast3A_246, %and3A_248 : vector<16xi32>
      %bitcast3A_250 = vector.bitcast %and3A_249 : vector<16xi32> to vector<16xf32>
      %shift_left3A_251 = arith.constant 16 : i32
      %shift_left3A_252 = vector.broadcast %shift_left3A_251 : i32 to vector<16xi32>
      %shift_left3A_253 = arith.shli %bitcast3A_246, %shift_left3A_252 : vector<16xi32>
      %bitcast3A_254 = vector.bitcast %shift_left3A_253 : vector<16xi32> to vector<16xf32>
      %add3A_255 = arith.addf %add3A_238, %bitcast3A_250 : vector<16xf32>
      %add3A_256 = arith.addf %add3A_239, %bitcast3A_254 : vector<16xf32>
      %scan3A_257 = arith.constant 3 : i32
      %scan3A_258 = arith.addi %scan3A_210, %scan3A_257 : i32
      %get3A_259 = arith.index_cast %scan3A_258 : i32 to index
      %get3A_260 = arith.constant 96 : index
      %get3A_261 = tpu.vector_load %arg7[%get3A_259, %get3A_260] {strides = array<i32>} : memref<50x128xi32, #tpu.memory_space<vmem>>, vector<16xi32>,
      %gather3A_262 = tpu.vector_load_idx %arg6[%get3A_261] : memref<114688xf32, #tpu.memory_space<vmem>>[vector<16xi32>], vector<16xf32>,
      %bitcast3A_263 = vector.bitcast %gather3A_262 : vector<16xf32> to vector<16xi32>
      %and3A_264 = arith.constant -65536 : i32
      %and3A_265 = vector.broadcast %and3A_264 : i32 to vector<16xi32>
      %and3A_266 = arith.andi %bitcast3A_263, %and3A_265 : vector<16xi32>
      %bitcast3A_267 = vector.bitcast %and3A_266 : vector<16xi32> to vector<16xf32>
      %shift_left3A_268 = arith.constant 16 : i32
      %shift_left3A_269 = vector.broadcast %shift_left3A_268 : i32 to vector<16xi32>
      %shift_left3A_270 = arith.shli %bitcast3A_263, %shift_left3A_269 : vector<16xi32>
      %bitcast3A_271 = vector.bitcast %shift_left3A_270 : vector<16xi32> to vector<16xf32>
      %add3A_272 = arith.addf %add3A_255, %bitcast3A_267 : vector<16xf32>
      %add3A_273 = arith.addf %add3A_256, %bitcast3A_271 : vector<16xf32>
      %scan3A_274 = arith.constant 4 : i32
      %scan3A_275 = arith.addi %scan3A_210, %scan3A_274 : i32
      %get3A_276 = arith.index_cast %scan3A_275 : i32 to index
      %get3A_277 = arith.constant 96 : index
      %get3A_278 = tpu.vector_load %arg7[%get3A_276, %get3A_277] {strides = array<i32>} : memref<50x128xi32, #tpu.memory_space<vmem>>, vector<16xi32>,
      %gather3A_279 = tpu.vector_load_idx %arg6[%get3A_278] : memref<114688xf32, #tpu.memory_space<vmem>>[vector<16xi32>], vector<16xf32>,
      %bitcast3A_280 = vector.bitcast %gather3A_279 : vector<16xf32> to vector<16xi32>
      %and3A_281 = arith.constant -65536 : i32
      %and3A_282 = vector.broadcast %and3A_281 : i32 to vector<16xi32>
      %and3A_283 = arith.andi %bitcast3A_280, %and3A_282 : vector<16xi32>
      %bitcast3A_284 = vector.bitcast %and3A_283 : vector<16xi32> to vector<16xf32>
      %shift_left3A_285 = arith.constant 16 : i32
      %shift_left3A_286 = vector.broadcast %shift_left3A_285 : i32 to vector<16xi32>
      %shift_left3A_287 = arith.shli %bitcast3A_280, %shift_left3A_286 : vector<16xi32>
      %bitcast3A_288 = vector.bitcast %shift_left3A_287 : vector<16xi32> to vector<16xf32>
      %add3A_289 = arith.addf %add3A_272, %bitcast3A_284 : vector<16xf32>
      %add3A_290 = arith.addf %add3A_273, %bitcast3A_288 : vector<16xf32>
      %scan3A_291 = arith.constant 5 : i32
      %scan3A_292 = arith.addi %scan3A_210, %scan3A_291 : i32
      %get3A_293 = arith.index_cast %scan3A_292 : i32 to index
      %get3A_294 = arith.constant 96 : index
      %get3A_295 = tpu.vector_load %arg7[%get3A_293, %get3A_294] {strides = array<i32>} : memref<50x128xi32, #tpu.memory_space<vmem>>, vector<16xi32>,
      %gather3A_296 = tpu.vector_load_idx %arg6[%get3A_295] : memref<114688xf32, #tpu.memory_space<vmem>>[vector<16xi32>], vector<16xf32>,
      %bitcast3A_297 = vector.bitcast %gather3A_296 : vector<16xf32> to vector<16xi32>
      %and3A_298 = arith.constant -65536 : i32
      %and3A_299 = vector.broadcast %and3A_298 : i32 to vector<16xi32>
      %and3A_300 = arith.andi %bitcast3A_297, %and3A_299 : vector<16xi32>
      %bitcast3A_301 = vector.bitcast %and3A_300 : vector<16xi32> to vector<16xf32>
      %shift_left3A_302 = arith.constant 16 : i32
      %shift_left3A_303 = vector.broadcast %shift_left3A_302 : i32 to vector<16xi32>
      %shift_left3A_304 = arith.shli %bitcast3A_297, %shift_left3A_303 : vector<16xi32>
      %bitcast3A_305 = vector.bitcast %shift_left3A_304 : vector<16xi32> to vector<16xf32>
      %add3A_306 = arith.addf %add3A_289, %bitcast3A_301 : vector<16xf32>
      %add3A_307 = arith.addf %add3A_290, %bitcast3A_305 : vector<16xf32>
      %scan3A_308 = arith.constant 6 : i32
      %scan3A_309 = arith.addi %scan3A_210, %scan3A_308 : i32
      %get3A_310 = arith.index_cast %scan3A_309 : i32 to index
      %get3A_311 = arith.constant 96 : index
      %get3A_312 = tpu.vector_load %arg7[%get3A_310, %get3A_311] {strides = array<i32>} : memref<50x128xi32, #tpu.memory_space<vmem>>, vector<16xi32>,
      %gather3A_313 = tpu.vector_load_idx %arg6[%get3A_312] : memref<114688xf32, #tpu.memory_space<vmem>>[vector<16xi32>], vector<16xf32>,
      %bitcast3A_314 = vector.bitcast %gather3A_313 : vector<16xf32> to vector<16xi32>
      %and3A_315 = arith.constant -65536 : i32
      %and3A_316 = vector.broadcast %and3A_315 : i32 to vector<16xi32>
      %and3A_317 = arith.andi %bitcast3A_314, %and3A_316 : vector<16xi32>
      %bitcast3A_318 = vector.bitcast %and3A_317 : vector<16xi32> to vector<16xf32>
      %shift_left3A_319 = arith.constant 16 : i32
      %shift_left3A_320 = vector.broadcast %shift_left3A_319 : i32 to vector<16xi32>
      %shift_left3A_321 = arith.shli %bitcast3A_314, %shift_left3A_320 : vector<16xi32>
      %bitcast3A_322 = vector.bitcast %shift_left3A_321 : vector<16xi32> to vector<16xf32>
      %add3A_323 = arith.addf %add3A_306, %bitcast3A_318 : vector<16xf32>
      %add3A_324 = arith.addf %add3A_307, %bitcast3A_322 : vector<16xf32>
      %scan3A_325 = arith.constant 7 : i32
      %scan3A_326 = arith.addi %scan3A_210, %scan3A_325 : i32
      %get3A_327 = arith.index_cast %scan3A_326 : i32 to index
      %get3A_328 = arith.constant 96 : index
      %get3A_329 = tpu.vector_load %arg7[%get3A_327, %get3A_328] {strides = array<i32>} : memref<50x128xi32, #tpu.memory_space<vmem>>, vector<16xi32>,
      %gather3A_330 = tpu.vector_load_idx %arg6[%get3A_329] : memref<114688xf32, #tpu.memory_space<vmem>>[vector<16xi32>], vector<16xf32>,
      %bitcast3A_331 = vector.bitcast %gather3A_330 : vector<16xf32> to vector<16xi32>
      %and3A_332 = arith.constant -65536 : i32
      %and3A_333 = vector.broadcast %and3A_332 : i32 to vector<16xi32>
      %and3A_334 = arith.andi %bitcast3A_331, %and3A_333 : vector<16xi32>
      %bitcast3A_335 = vector.bitcast %and3A_334 : vector<16xi32> to vector<16xf32>
      %shift_left3A_336 = arith.constant 16 : i32
      %shift_left3A_337 = vector.broadcast %shift_left3A_336 : i32 to vector<16xi32>
      %shift_left3A_338 = arith.shli %bitcast3A_331, %shift_left3A_337 : vector<16xi32>
      %bitcast3A_339 = vector.bitcast %shift_left3A_338 : vector<16xi32> to vector<16xf32>
      %add3A_340 = arith.addf %add3A_323, %bitcast3A_335 : vector<16xf32>
      %add3A_341 = arith.addf %add3A_324, %bitcast3A_339 : vector<16xf32>
      %scan3A_342 = arith.constant 8 : i32
      %scan3A_343 = arith.addi %scan3A_210, %scan3A_342 : i32
      %get3A_344 = arith.index_cast %scan3A_343 : i32 to index
      %get3A_345 = arith.constant 96 : index
      %get3A_346 = tpu.vector_load %arg7[%get3A_344, %get3A_345] {strides = array<i32>} : memref<50x128xi32, #tpu.memory_space<vmem>>, vector<16xi32>,
      %gather3A_347 = tpu.vector_load_idx %arg6[%get3A_346] : memref<114688xf32, #tpu.memory_space<vmem>>[vector<16xi32>], vector<16xf32>,
      %bitcast3A_348 = vector.bitcast %gather3A_347 : vector<16xf32> to vector<16xi32>
      %and3A_349 = arith.constant -65536 : i32
      %and3A_350 = vector.broadcast %and3A_349 : i32 to vector<16xi32>
      %and3A_351 = arith.andi %bitcast3A_348, %and3A_350 : vector<16xi32>
      %bitcast3A_352 = vector.bitcast %and3A_351 : vector<16xi32> to vector<16xf32>
      %shift_left3A_353 = arith.constant 16 : i32
      %shift_left3A_354 = vector.broadcast %shift_left3A_353 : i32 to vector<16xi32>
      %shift_left3A_355 = arith.shli %bitcast3A_348, %shift_left3A_354 : vector<16xi32>
      %bitcast3A_356 = vector.bitcast %shift_left3A_355 : vector<16xi32> to vector<16xf32>
      %add3A_357 = arith.addf %add3A_340, %bitcast3A_352 : vector<16xf32>
      %add3A_358 = arith.addf %add3A_341, %bitcast3A_356 : vector<16xf32>
      %scan3A_359 = arith.constant 9 : i32
      %scan3A_360 = arith.addi %scan3A_210, %scan3A_359 : i32
      %get3A_361 = arith.index_cast %scan3A_360 : i32 to index
      %get3A_362 = arith.constant 96 : index
      %get3A_363 = tpu.vector_load %arg7[%get3A_361, %get3A_362] {strides = array<i32>} : memref<50x128xi32, #tpu.memory_space<vmem>>, vector<16xi32>,
      %gather3A_364 = tpu.vector_load_idx %arg6[%get3A_363] : memref<114688xf32, #tpu.memory_space<vmem>>[vector<16xi32>], vector<16xf32>,
      %bitcast3A_365 = vector.bitcast %gather3A_364 : vector<16xf32> to vector<16xi32>
      %and3A_366 = arith.constant -65536 : i32
      %and3A_367 = vector.broadcast %and3A_366 : i32 to vector<16xi32>
      %and3A_368 = arith.andi %bitcast3A_365, %and3A_367 : vector<16xi32>
      %bitcast3A_369 = vector.bitcast %and3A_368 : vector<16xi32> to vector<16xf32>
      %shift_left3A_370 = arith.constant 16 : i32
      %shift_left3A_371 = vector.broadcast %shift_left3A_370 : i32 to vector<16xi32>
      %shift_left3A_372 = arith.shli %bitcast3A_365, %shift_left3A_371 : vector<16xi32>
      %bitcast3A_373 = vector.bitcast %shift_left3A_372 : vector<16xi32> to vector<16xf32>
      %add3A_374 = arith.addf %add3A_357, %bitcast3A_369 : vector<16xf32>
      %add3A_375 = arith.addf %add3A_358, %bitcast3A_373 : vector<16xf32>
      scf.yield %add3A_374, %add3A_375 : vector<16xf32>, vector<16xf32>
    }
    %scan3A_167 = arith.constant 50 : i32
    %mul3A_168 = arith.constant 2.000000e-02 : f32
    %mul3A_169 = vector.broadcast %mul3A_168 : f32 to vector<16xf32>
    %mul3A_170 = arith.mulf %scan3A_166#0, %mul3A_169 : vector<16xf32>
    %mul3A_171 = arith.constant 2.000000e-02 : f32
    %mul3A_172 = vector.broadcast %mul3A_171 : f32 to vector<16xf32>
    %mul3A_173 = arith.mulf %scan3A_166#1, %mul3A_172 : vector<16xf32>
    %mul3A_174 = arith.constant 2 : i32
    %mul3A_175 = vector.broadcast %mul3A_174 : i32 to vector<16xi32>
    %mul3A_176 = arith.muli %iota3A, %mul3A_175 : vector<16xi32>
    %add3A_177 = arith.constant 192 : i32
    %add3A_178 = vector.broadcast %add3A_177 : i32 to vector<16xi32>
    %add3A_179 = arith.addi %mul3A_176, %add3A_178 : vector<16xi32>
    tpu.vector_store_idx %arg8[%add3A_179], %mul3A_170 : memref<256xf32, #tpu.memory_space<vmem>>[vector<16xi32>], vector<16xf32>,
    %add3A_180 = arith.constant 1 : i32
    %add3A_181 = vector.broadcast %add3A_180 : i32 to vector<16xi32>
    %add3A_182 = arith.addi %add3A_179, %add3A_181 : vector<16xi32>
    tpu.vector_store_idx %arg8[%add3A_182], %mul3A_173 : memref<256xf32, #tpu.memory_space<vmem>>[vector<16xi32>], vector<16xf32>,
    %broadcast_in_dim3A_183 = arith.constant 0.000000e+00 : f32
    %broadcast_in_dim3A_184 = vector.broadcast %broadcast_in_dim3A_183 : f32 to vector<16xf32>
    %broadcast_in_dim3A_185 = arith.constant 0.000000e+00 : f32
    %broadcast_in_dim3A_186 = vector.broadcast %broadcast_in_dim3A_185 : f32 to vector<16xf32>
    %scan3A_187 = arith.constant 0 : i32
    %scan3A_188 = arith.constant 50 : i32
    %scan3A_189 = arith.addi %scan3A_187, %scan3A_188 : i32
    %scan3A_190 = arith.constant 10 : i32
    %scan3A_191:2 = scf.for %scan3A_210 = %scan3A_187 to %scan3A_189 step %scan3A_190 iter_args(%scan3A_211 = %broadcast_in_dim3A_184, %scan3A_212 = %broadcast_in_dim3A_186) -> (vector<16xf32>, vector<16xf32>)  : i32 {
      %get3A = arith.index_cast %scan3A_210 : i32 to index
      %get3A_213 = arith.constant 112 : index
      %get3A_214 = tpu.vector_load %arg7[%get3A, %get3A_213] {strides = array<i32>} : memref<50x128xi32, #tpu.memory_space<vmem>>, vector<16xi32>,
      %gather3A = tpu.vector_load_idx %arg6[%get3A_214] : memref<114688xf32, #tpu.memory_space<vmem>>[vector<16xi32>], vector<16xf32>,
      %bitcast3A = vector.bitcast %gather3A : vector<16xf32> to vector<16xi32>
      %and3A = arith.constant -65536 : i32
      %and3A_215 = vector.broadcast %and3A : i32 to vector<16xi32>
      %and3A_216 = arith.andi %bitcast3A, %and3A_215 : vector<16xi32>
      %bitcast3A_217 = vector.bitcast %and3A_216 : vector<16xi32> to vector<16xf32>
      %shift_left3A = arith.constant 16 : i32
      %shift_left3A_218 = vector.broadcast %shift_left3A : i32 to vector<16xi32>
      %shift_left3A_219 = arith.shli %bitcast3A, %shift_left3A_218 : vector<16xi32>
      %bitcast3A_220 = vector.bitcast %shift_left3A_219 : vector<16xi32> to vector<16xf32>
      %add3A_221 = arith.addf %scan3A_211, %bitcast3A_217 : vector<16xf32>
      %add3A_222 = arith.addf %scan3A_212, %bitcast3A_220 : vector<16xf32>
      %scan3A_223 = arith.constant 1 : i32
      %scan3A_224 = arith.addi %scan3A_210, %scan3A_223 : i32
      %get3A_225 = arith.index_cast %scan3A_224 : i32 to index
      %get3A_226 = arith.constant 112 : index
      %get3A_227 = tpu.vector_load %arg7[%get3A_225, %get3A_226] {strides = array<i32>} : memref<50x128xi32, #tpu.memory_space<vmem>>, vector<16xi32>,
      %gather3A_228 = tpu.vector_load_idx %arg6[%get3A_227] : memref<114688xf32, #tpu.memory_space<vmem>>[vector<16xi32>], vector<16xf32>,
      %bitcast3A_229 = vector.bitcast %gather3A_228 : vector<16xf32> to vector<16xi32>
      %and3A_230 = arith.constant -65536 : i32
      %and3A_231 = vector.broadcast %and3A_230 : i32 to vector<16xi32>
      %and3A_232 = arith.andi %bitcast3A_229, %and3A_231 : vector<16xi32>
      %bitcast3A_233 = vector.bitcast %and3A_232 : vector<16xi32> to vector<16xf32>
      %shift_left3A_234 = arith.constant 16 : i32
      %shift_left3A_235 = vector.broadcast %shift_left3A_234 : i32 to vector<16xi32>
      %shift_left3A_236 = arith.shli %bitcast3A_229, %shift_left3A_235 : vector<16xi32>
      %bitcast3A_237 = vector.bitcast %shift_left3A_236 : vector<16xi32> to vector<16xf32>
      %add3A_238 = arith.addf %add3A_221, %bitcast3A_233 : vector<16xf32>
      %add3A_239 = arith.addf %add3A_222, %bitcast3A_237 : vector<16xf32>
      %scan3A_240 = arith.constant 2 : i32
      %scan3A_241 = arith.addi %scan3A_210, %scan3A_240 : i32
      %get3A_242 = arith.index_cast %scan3A_241 : i32 to index
      %get3A_243 = arith.constant 112 : index
      %get3A_244 = tpu.vector_load %arg7[%get3A_242, %get3A_243] {strides = array<i32>} : memref<50x128xi32, #tpu.memory_space<vmem>>, vector<16xi32>,
      %gather3A_245 = tpu.vector_load_idx %arg6[%get3A_244] : memref<114688xf32, #tpu.memory_space<vmem>>[vector<16xi32>], vector<16xf32>,
      %bitcast3A_246 = vector.bitcast %gather3A_245 : vector<16xf32> to vector<16xi32>
      %and3A_247 = arith.constant -65536 : i32
      %and3A_248 = vector.broadcast %and3A_247 : i32 to vector<16xi32>
      %and3A_249 = arith.andi %bitcast3A_246, %and3A_248 : vector<16xi32>
      %bitcast3A_250 = vector.bitcast %and3A_249 : vector<16xi32> to vector<16xf32>
      %shift_left3A_251 = arith.constant 16 : i32
      %shift_left3A_252 = vector.broadcast %shift_left3A_251 : i32 to vector<16xi32>
      %shift_left3A_253 = arith.shli %bitcast3A_246, %shift_left3A_252 : vector<16xi32>
      %bitcast3A_254 = vector.bitcast %shift_left3A_253 : vector<16xi32> to vector<16xf32>
      %add3A_255 = arith.addf %add3A_238, %bitcast3A_250 : vector<16xf32>
      %add3A_256 = arith.addf %add3A_239, %bitcast3A_254 : vector<16xf32>
      %scan3A_257 = arith.constant 3 : i32
      %scan3A_258 = arith.addi %scan3A_210, %scan3A_257 : i32
      %get3A_259 = arith.index_cast %scan3A_258 : i32 to index
      %get3A_260 = arith.constant 112 : index
      %get3A_261 = tpu.vector_load %arg7[%get3A_259, %get3A_260] {strides = array<i32>} : memref<50x128xi32, #tpu.memory_space<vmem>>, vector<16xi32>,
      %gather3A_262 = tpu.vector_load_idx %arg6[%get3A_261] : memref<114688xf32, #tpu.memory_space<vmem>>[vector<16xi32>], vector<16xf32>,
      %bitcast3A_263 = vector.bitcast %gather3A_262 : vector<16xf32> to vector<16xi32>
      %and3A_264 = arith.constant -65536 : i32
      %and3A_265 = vector.broadcast %and3A_264 : i32 to vector<16xi32>
      %and3A_266 = arith.andi %bitcast3A_263, %and3A_265 : vector<16xi32>
      %bitcast3A_267 = vector.bitcast %and3A_266 : vector<16xi32> to vector<16xf32>
      %shift_left3A_268 = arith.constant 16 : i32
      %shift_left3A_269 = vector.broadcast %shift_left3A_268 : i32 to vector<16xi32>
      %shift_left3A_270 = arith.shli %bitcast3A_263, %shift_left3A_269 : vector<16xi32>
      %bitcast3A_271 = vector.bitcast %shift_left3A_270 : vector<16xi32> to vector<16xf32>
      %add3A_272 = arith.addf %add3A_255, %bitcast3A_267 : vector<16xf32>
      %add3A_273 = arith.addf %add3A_256, %bitcast3A_271 : vector<16xf32>
      %scan3A_274 = arith.constant 4 : i32
      %scan3A_275 = arith.addi %scan3A_210, %scan3A_274 : i32
      %get3A_276 = arith.index_cast %scan3A_275 : i32 to index
      %get3A_277 = arith.constant 112 : index
      %get3A_278 = tpu.vector_load %arg7[%get3A_276, %get3A_277] {strides = array<i32>} : memref<50x128xi32, #tpu.memory_space<vmem>>, vector<16xi32>,
      %gather3A_279 = tpu.vector_load_idx %arg6[%get3A_278] : memref<114688xf32, #tpu.memory_space<vmem>>[vector<16xi32>], vector<16xf32>,
      %bitcast3A_280 = vector.bitcast %gather3A_279 : vector<16xf32> to vector<16xi32>
      %and3A_281 = arith.constant -65536 : i32
      %and3A_282 = vector.broadcast %and3A_281 : i32 to vector<16xi32>
      %and3A_283 = arith.andi %bitcast3A_280, %and3A_282 : vector<16xi32>
      %bitcast3A_284 = vector.bitcast %and3A_283 : vector<16xi32> to vector<16xf32>
      %shift_left3A_285 = arith.constant 16 : i32
      %shift_left3A_286 = vector.broadcast %shift_left3A_285 : i32 to vector<16xi32>
      %shift_left3A_287 = arith.shli %bitcast3A_280, %shift_left3A_286 : vector<16xi32>
      %bitcast3A_288 = vector.bitcast %shift_left3A_287 : vector<16xi32> to vector<16xf32>
      %add3A_289 = arith.addf %add3A_272, %bitcast3A_284 : vector<16xf32>
      %add3A_290 = arith.addf %add3A_273, %bitcast3A_288 : vector<16xf32>
      %scan3A_291 = arith.constant 5 : i32
      %scan3A_292 = arith.addi %scan3A_210, %scan3A_291 : i32
      %get3A_293 = arith.index_cast %scan3A_292 : i32 to index
      %get3A_294 = arith.constant 112 : index
      %get3A_295 = tpu.vector_load %arg7[%get3A_293, %get3A_294] {strides = array<i32>} : memref<50x128xi32, #tpu.memory_space<vmem>>, vector<16xi32>,
      %gather3A_296 = tpu.vector_load_idx %arg6[%get3A_295] : memref<114688xf32, #tpu.memory_space<vmem>>[vector<16xi32>], vector<16xf32>,
      %bitcast3A_297 = vector.bitcast %gather3A_296 : vector<16xf32> to vector<16xi32>
      %and3A_298 = arith.constant -65536 : i32
      %and3A_299 = vector.broadcast %and3A_298 : i32 to vector<16xi32>
      %and3A_300 = arith.andi %bitcast3A_297, %and3A_299 : vector<16xi32>
      %bitcast3A_301 = vector.bitcast %and3A_300 : vector<16xi32> to vector<16xf32>
      %shift_left3A_302 = arith.constant 16 : i32
      %shift_left3A_303 = vector.broadcast %shift_left3A_302 : i32 to vector<16xi32>
      %shift_left3A_304 = arith.shli %bitcast3A_297, %shift_left3A_303 : vector<16xi32>
      %bitcast3A_305 = vector.bitcast %shift_left3A_304 : vector<16xi32> to vector<16xf32>
      %add3A_306 = arith.addf %add3A_289, %bitcast3A_301 : vector<16xf32>
      %add3A_307 = arith.addf %add3A_290, %bitcast3A_305 : vector<16xf32>
      %scan3A_308 = arith.constant 6 : i32
      %scan3A_309 = arith.addi %scan3A_210, %scan3A_308 : i32
      %get3A_310 = arith.index_cast %scan3A_309 : i32 to index
      %get3A_311 = arith.constant 112 : index
      %get3A_312 = tpu.vector_load %arg7[%get3A_310, %get3A_311] {strides = array<i32>} : memref<50x128xi32, #tpu.memory_space<vmem>>, vector<16xi32>,
      %gather3A_313 = tpu.vector_load_idx %arg6[%get3A_312] : memref<114688xf32, #tpu.memory_space<vmem>>[vector<16xi32>], vector<16xf32>,
      %bitcast3A_314 = vector.bitcast %gather3A_313 : vector<16xf32> to vector<16xi32>
      %and3A_315 = arith.constant -65536 : i32
      %and3A_316 = vector.broadcast %and3A_315 : i32 to vector<16xi32>
      %and3A_317 = arith.andi %bitcast3A_314, %and3A_316 : vector<16xi32>
      %bitcast3A_318 = vector.bitcast %and3A_317 : vector<16xi32> to vector<16xf32>
      %shift_left3A_319 = arith.constant 16 : i32
      %shift_left3A_320 = vector.broadcast %shift_left3A_319 : i32 to vector<16xi32>
      %shift_left3A_321 = arith.shli %bitcast3A_314, %shift_left3A_320 : vector<16xi32>
      %bitcast3A_322 = vector.bitcast %shift_left3A_321 : vector<16xi32> to vector<16xf32>
      %add3A_323 = arith.addf %add3A_306, %bitcast3A_318 : vector<16xf32>
      %add3A_324 = arith.addf %add3A_307, %bitcast3A_322 : vector<16xf32>
      %scan3A_325 = arith.constant 7 : i32
      %scan3A_326 = arith.addi %scan3A_210, %scan3A_325 : i32
      %get3A_327 = arith.index_cast %scan3A_326 : i32 to index
      %get3A_328 = arith.constant 112 : index
      %get3A_329 = tpu.vector_load %arg7[%get3A_327, %get3A_328] {strides = array<i32>} : memref<50x128xi32, #tpu.memory_space<vmem>>, vector<16xi32>,
      %gather3A_330 = tpu.vector_load_idx %arg6[%get3A_329] : memref<114688xf32, #tpu.memory_space<vmem>>[vector<16xi32>], vector<16xf32>,
      %bitcast3A_331 = vector.bitcast %gather3A_330 : vector<16xf32> to vector<16xi32>
      %and3A_332 = arith.constant -65536 : i32
      %and3A_333 = vector.broadcast %and3A_332 : i32 to vector<16xi32>
      %and3A_334 = arith.andi %bitcast3A_331, %and3A_333 : vector<16xi32>
      %bitcast3A_335 = vector.bitcast %and3A_334 : vector<16xi32> to vector<16xf32>
      %shift_left3A_336 = arith.constant 16 : i32
      %shift_left3A_337 = vector.broadcast %shift_left3A_336 : i32 to vector<16xi32>
      %shift_left3A_338 = arith.shli %bitcast3A_331, %shift_left3A_337 : vector<16xi32>
      %bitcast3A_339 = vector.bitcast %shift_left3A_338 : vector<16xi32> to vector<16xf32>
      %add3A_340 = arith.addf %add3A_323, %bitcast3A_335 : vector<16xf32>
      %add3A_341 = arith.addf %add3A_324, %bitcast3A_339 : vector<16xf32>
      %scan3A_342 = arith.constant 8 : i32
      %scan3A_343 = arith.addi %scan3A_210, %scan3A_342 : i32
      %get3A_344 = arith.index_cast %scan3A_343 : i32 to index
      %get3A_345 = arith.constant 112 : index
      %get3A_346 = tpu.vector_load %arg7[%get3A_344, %get3A_345] {strides = array<i32>} : memref<50x128xi32, #tpu.memory_space<vmem>>, vector<16xi32>,
      %gather3A_347 = tpu.vector_load_idx %arg6[%get3A_346] : memref<114688xf32, #tpu.memory_space<vmem>>[vector<16xi32>], vector<16xf32>,
      %bitcast3A_348 = vector.bitcast %gather3A_347 : vector<16xf32> to vector<16xi32>
      %and3A_349 = arith.constant -65536 : i32
      %and3A_350 = vector.broadcast %and3A_349 : i32 to vector<16xi32>
      %and3A_351 = arith.andi %bitcast3A_348, %and3A_350 : vector<16xi32>
      %bitcast3A_352 = vector.bitcast %and3A_351 : vector<16xi32> to vector<16xf32>
      %shift_left3A_353 = arith.constant 16 : i32
      %shift_left3A_354 = vector.broadcast %shift_left3A_353 : i32 to vector<16xi32>
      %shift_left3A_355 = arith.shli %bitcast3A_348, %shift_left3A_354 : vector<16xi32>
      %bitcast3A_356 = vector.bitcast %shift_left3A_355 : vector<16xi32> to vector<16xf32>
      %add3A_357 = arith.addf %add3A_340, %bitcast3A_352 : vector<16xf32>
      %add3A_358 = arith.addf %add3A_341, %bitcast3A_356 : vector<16xf32>
      %scan3A_359 = arith.constant 9 : i32
      %scan3A_360 = arith.addi %scan3A_210, %scan3A_359 : i32
      %get3A_361 = arith.index_cast %scan3A_360 : i32 to index
      %get3A_362 = arith.constant 112 : index
      %get3A_363 = tpu.vector_load %arg7[%get3A_361, %get3A_362] {strides = array<i32>} : memref<50x128xi32, #tpu.memory_space<vmem>>, vector<16xi32>,
      %gather3A_364 = tpu.vector_load_idx %arg6[%get3A_363] : memref<114688xf32, #tpu.memory_space<vmem>>[vector<16xi32>], vector<16xf32>,
      %bitcast3A_365 = vector.bitcast %gather3A_364 : vector<16xf32> to vector<16xi32>
      %and3A_366 = arith.constant -65536 : i32
      %and3A_367 = vector.broadcast %and3A_366 : i32 to vector<16xi32>
      %and3A_368 = arith.andi %bitcast3A_365, %and3A_367 : vector<16xi32>
      %bitcast3A_369 = vector.bitcast %and3A_368 : vector<16xi32> to vector<16xf32>
      %shift_left3A_370 = arith.constant 16 : i32
      %shift_left3A_371 = vector.broadcast %shift_left3A_370 : i32 to vector<16xi32>
      %shift_left3A_372 = arith.shli %bitcast3A_365, %shift_left3A_371 : vector<16xi32>
      %bitcast3A_373 = vector.bitcast %shift_left3A_372 : vector<16xi32> to vector<16xf32>
      %add3A_374 = arith.addf %add3A_357, %bitcast3A_369 : vector<16xf32>
      %add3A_375 = arith.addf %add3A_358, %bitcast3A_373 : vector<16xf32>
      scf.yield %add3A_374, %add3A_375 : vector<16xf32>, vector<16xf32>
    }
    %scan3A_192 = arith.constant 50 : i32
    %mul3A_193 = arith.constant 2.000000e-02 : f32
    %mul3A_194 = vector.broadcast %mul3A_193 : f32 to vector<16xf32>
    %mul3A_195 = arith.mulf %scan3A_191#0, %mul3A_194 : vector<16xf32>
    %mul3A_196 = arith.constant 2.000000e-02 : f32
    %mul3A_197 = vector.broadcast %mul3A_196 : f32 to vector<16xf32>
    %mul3A_198 = arith.mulf %scan3A_191#1, %mul3A_197 : vector<16xf32>
    %mul3A_199 = arith.constant 2 : i32
    %mul3A_200 = vector.broadcast %mul3A_199 : i32 to vector<16xi32>
    %mul3A_201 = arith.muli %iota3A, %mul3A_200 : vector<16xi32>
    %add3A_202 = arith.constant 224 : i32
    %add3A_203 = vector.broadcast %add3A_202 : i32 to vector<16xi32>
    %add3A_204 = arith.addi %mul3A_201, %add3A_203 : vector<16xi32>
    tpu.vector_store_idx %arg8[%add3A_204], %mul3A_195 : memref<256xf32, #tpu.memory_space<vmem>>[vector<16xi32>], vector<16xf32>,
    %add3A_205 = arith.constant 1 : i32
    %add3A_206 = vector.broadcast %add3A_205 : i32 to vector<16xi32>
    %add3A_207 = arith.addi %add3A_204, %add3A_206 : vector<16xi32>
    tpu.vector_store_idx %arg8[%add3A_207], %mul3A_198 : memref<256xf32, #tpu.memory_space<vmem>>[vector<16xi32>], vector<16xf32>,
    %mul3A_208 = arith.constant 2 : i32
    %mul3A_209 = arith.muli %mul3A_2, %mul3A_208 : i32
    "tpu.region"() ({
      %run_scoped3A = tpu.sem_alloc : memref<!tpu.dma_semaphore, #tpu.memory_space<semaphore_mem>>
      %dma_start3A = tpu.memref_slice %arg4[%mul3A_209] : memref<8192xf32, #tpu.memory_space<hbm>> -> memref<256xf32, #tpu.memory_space<hbm>>
      %dma_start3A_210 = tpu.memref_slice %arg4[%mul3A_209] : memref<8192xf32, #tpu.memory_space<hbm>> -> memref<256xf32, #tpu.memory_space<hbm>>
      tpu.enqueue_dma source(%arg8 : memref<256xf32, #tpu.memory_space<vmem>>) target(%dma_start3A_210 : memref<256xf32, #tpu.memory_space<hbm>>) target_semaphore(%run_scoped3A : memref<!tpu.dma_semaphore, #tpu.memory_space<semaphore_mem>>)
      %dma_wait3A = tpu.memref_slice %arg4[%mul3A_209] : memref<8192xf32, #tpu.memory_space<hbm>> -> memref<256xf32, #tpu.memory_space<hbm>>
      %dma_wait3A_211 = tpu.memref_slice %arg4[%mul3A_209] : memref<8192xf32, #tpu.memory_space<hbm>> -> memref<256xf32, #tpu.memory_space<hbm>>
      tpu.wait_dma2 semaphore(%run_scoped3A : memref<!tpu.dma_semaphore, #tpu.memory_space<semaphore_mem>>) src(%arg8 : memref<256xf32, #tpu.memory_space<vmem>>) dst(%dma_wait3A_211 : memref<256xf32, #tpu.memory_space<hbm>>)
      tpu.yield
    }) : () -> ()
    return
  }
}

module attributes {stable_mosaic.version = 14 : i64} {
  func.func @_proj_body(%arg0: i32, %arg1: memref<2xf32, #tpu.memory_space<smem>>, %arg2: memref<2x64xf32, #tpu.memory_space<vmem>>, %arg3: memref<64x16384xf32, #tpu.memory_space<vmem>>, %arg4: memref<8x16384xf32, #tpu.memory_space<vmem>>) attributes {dimension_semantics = [#tpu.dimension_semantics<arbitrary>], iteration_bounds = array<i64: 7>, scalar_prefetch = 0 : i64, scratch_operands = 0 : i64, tpu.core_type = #tpu.core_type<tc>, window_params = [{transform_indices = @transform_0, window_bounds = array<i64: 2>}, {pipeline_mode = #tpu.pipeline_mode<synchronous>, transform_indices = @transform_1, window_bounds = array<i64: 2, 64>}, {transform_indices = @transform_2, window_bounds = array<i64: 64, 16384>}, {transform_indices = @transform_3, window_bounds = array<i64: 8, 16384>}]} {
    %get3A = arith.constant 0 : index
    %get3A_0 = arith.constant 0 : index
    %get3A_1 = vector.load %arg2[%get3A, %get3A_0] : memref<2x64xf32, #tpu.memory_space<vmem>>, vector<2x64xf32>
    %get3A_2 = arith.constant 0 : index
    %get3A_3 = arith.constant 0 : index
    %get3A_4 = vector.load %arg3[%get3A_2, %get3A_3] : memref<64x16384xf32, #tpu.memory_space<vmem>>, vector<64x16384xf32>
    %dot_general3A = arith.constant dense<0.000000e+00> : vector<2x16384xf32>
    %dot_general3A_5 = tpu.matmul %get3A_1, %get3A_4, %dot_general3A {dimension_numbers = #tpu.dot_dimension_numbers<[1], [0], [0], [1], [0, 0, 1, 1], [], []>, transpose_lhs_hint = false} : vector<2x64xf32>, vector<64x16384xf32>, vector<2x16384xf32> -> vector<2x16384xf32>
    %slice3A = vector.extract_strided_slice %dot_general3A_5 {offsets = [0, 0], sizes = [1, 16384], strides = [1, 1]} : vector<2x16384xf32> to vector<1x16384xf32>
    %get3A_6 = arith.constant 0 : index
    %get3A_7 = memref.load %arg1[%get3A_6] : memref<2xf32, #tpu.memory_space<smem>>
    %add3A = vector.broadcast %get3A_7 : f32 to vector<1x16384xf32>
    %add3A_8 = arith.addf %slice3A, %add3A : vector<1x16384xf32>
    %bitcast_convert_type3A = tpu.bitcast %add3A_8 : vector<1x16384xf32> -> vector<1x16384xi32>
    %slice3A_9 = vector.extract_strided_slice %dot_general3A_5 {offsets = [1, 0], sizes = [1, 16384], strides = [1, 1]} : vector<2x16384xf32> to vector<1x16384xf32>
    %get3A_10 = arith.constant 1 : index
    %get3A_11 = memref.load %arg1[%get3A_10] : memref<2xf32, #tpu.memory_space<smem>>
    %add3A_12 = vector.broadcast %get3A_11 : f32 to vector<1x16384xf32>
    %add3A_13 = arith.addf %slice3A_9, %add3A_12 : vector<1x16384xf32>
    %bitcast_convert_type3A_14 = tpu.bitcast %add3A_13 : vector<1x16384xf32> -> vector<1x16384xi32>
    %add3A_15 = arith.constant 32767 : i32
    %add3A_16 = vector.broadcast %add3A_15 : i32 to vector<1x16384xi32>
    %add3A_17 = arith.addi %bitcast_convert_type3A, %add3A_16 : vector<1x16384xi32>
    %shift_right_arithmetic3A = arith.constant 16 : i32
    %shift_right_arithmetic3A_18 = vector.broadcast %shift_right_arithmetic3A : i32 to vector<1x16384xi32>
    %shift_right_arithmetic3A_19 = arith.shrsi %bitcast_convert_type3A, %shift_right_arithmetic3A_18 : vector<1x16384xi32>
    %and3A = arith.constant 1 : i32
    %and3A_20 = vector.broadcast %and3A : i32 to vector<1x16384xi32>
    %and3A_21 = arith.andi %shift_right_arithmetic3A_19, %and3A_20 : vector<1x16384xi32>
    %add3A_22 = arith.addi %add3A_17, %and3A_21 : vector<1x16384xi32>
    %and3A_23 = arith.constant -65536 : i32
    %and3A_24 = vector.broadcast %and3A_23 : i32 to vector<1x16384xi32>
    %and3A_25 = arith.andi %add3A_22, %and3A_24 : vector<1x16384xi32>
    %add3A_26 = arith.constant 32767 : i32
    %add3A_27 = vector.broadcast %add3A_26 : i32 to vector<1x16384xi32>
    %add3A_28 = arith.addi %bitcast_convert_type3A_14, %add3A_27 : vector<1x16384xi32>
    %shift_right_arithmetic3A_29 = arith.constant 16 : i32
    %shift_right_arithmetic3A_30 = vector.broadcast %shift_right_arithmetic3A_29 : i32 to vector<1x16384xi32>
    %shift_right_arithmetic3A_31 = arith.shrsi %bitcast_convert_type3A_14, %shift_right_arithmetic3A_30 : vector<1x16384xi32>
    %and3A_32 = arith.constant 1 : i32
    %and3A_33 = vector.broadcast %and3A_32 : i32 to vector<1x16384xi32>
    %and3A_34 = arith.andi %shift_right_arithmetic3A_31, %and3A_33 : vector<1x16384xi32>
    %add3A_35 = arith.addi %add3A_28, %and3A_34 : vector<1x16384xi32>
    %shift_right_arithmetic3A_36 = arith.constant 16 : i32
    %shift_right_arithmetic3A_37 = vector.broadcast %shift_right_arithmetic3A_36 : i32 to vector<1x16384xi32>
    %shift_right_arithmetic3A_38 = arith.shrsi %add3A_35, %shift_right_arithmetic3A_37 : vector<1x16384xi32>
    %and3A_39 = arith.constant 65535 : i32
    %and3A_40 = vector.broadcast %and3A_39 : i32 to vector<1x16384xi32>
    %and3A_41 = arith.andi %shift_right_arithmetic3A_38, %and3A_40 : vector<1x16384xi32>
    %or3A = arith.ori %and3A_25, %and3A_41 : vector<1x16384xi32>
    %bitcast_convert_type3A_42 = tpu.bitcast %or3A : vector<1x16384xi32> -> vector<1x16384xf32>
    %swap3A = arith.constant 0 : index
    %swap3A_43 = arith.constant 0 : index
    %swap3A_44 = vector.load %arg4[%swap3A, %swap3A_43] : memref<8x16384xf32, #tpu.memory_space<vmem>>, vector<1x16384xf32>
    tpu.vector_store %arg4[%swap3A, %swap3A_43], %bitcast_convert_type3A_42 {strides = array<i32>} : memref<8x16384xf32, #tpu.memory_space<vmem>>, vector<1x16384xf32>,
    return
  }
  func.func @transform_0(%arg0: i32) -> i32 {
    %c0_i32 = arith.constant 0 : i32
    %c0_i32_0 = arith.constant 0 : i32
    return %c0_i32 : i32
  }
  func.func @transform_1(%arg0: i32) -> (i32, i32) {
    %c0_i32 = arith.constant 0 : i32
    %c0_i32_0 = arith.constant 0 : i32
    %c0_i32_1 = arith.constant 0 : i32
    return %c0_i32, %c0_i32_0 : i32, i32
  }
  func.func @transform_2(%arg0: i32) -> (i32, i32) {
    %c0_i32 = arith.constant 0 : i32
    %c0_i32_0 = arith.constant 0 : i32
    return %c0_i32, %arg0 : i32, i32
  }
  func.func @transform_3(%arg0: i32) -> (i32, i32) {
    %c0_i32 = arith.constant 0 : i32
    %c0_i32_0 = arith.constant 0 : i32
    return %c0_i32, %arg0 : i32, i32
  }
}

</mosaic_0001>

<sc_bundles>
// kernel: _run.4.cloned.1.call-start
scs
__scs_entry_jumppad:
0x0: {  	(pc) =	sbr.rel $0x88, $3  }
0x1: {  	(tag) =	ssettag $0x0;
	lr =	simm.s32 $0x1  }
0x2: {  	[smem:$0x3F9D] =	sst lr;
	_ =	strace $0xD0000000  }
0x3: {  	_ = 	snop  }
0x4: {  	_ = 	snop  }
0x5: {  	_ = 	snop  }
0x6: {  	_ = 	snop  }
0x7: {  	_ = 	snop  }
__scs_overlays_trampoline_lowered:
0x8: {  	[smem:$0x3FAC] =	sst s0  }
0x9: {  	[smem:$0x3FAD] =	sst s1  }
0xa: {  	[smem:$0x3FAE] =	sst s2  }
0xb: {  	[smem:$0x3FAF] =	sst s3  }
0xc: {  	[smem:$0x3FB0] =	sst s4  }
0xd: {  	[smem:$0x3FB1] =	sst s5  }
0xe: {  	[smem:$0x3FB2] =	sst s6  }
0xf: {  	[smem:$0x3FB3] =	sst s7  }
0x10: {  	[smem:$0x3FB4] =	sst s8  }
0x11: {  	[smem:$0x3FB5] =	sst s9;
	s0 =	simm.s32 @!p0 $0x0  }
0x12: {  	s1 =	sld [smem:$0x3F9B];
	s0 =	simm.s32 @p0 $0x1  }
0x13: {  	[smem:$0x3FB6] =	sst s0;
	s0 =	simm.s32 @!p1 $0x0  }
0x14: {  	s2 =	sld [smem:$0x3F9A];
	s0 =	simm.s32 @p1 $0x1  }
0x15: {  	[smem:$0x3FB7] =	sst s0;
	s0 =	simm.s32 @!p2 $0x0  }
0x16: {  	s3 =	sld [smem:$0x3FDB];
	s0 =	simm.s32 @p2 $0x1  }
0x17: {  	s4 =	simm.s32 $0x1BF5;
	[smem:$0x3FB9] =	sst s0  }
0x18: {  	s0 =	sld [smem:$0x3F9C];
	_ =	swait.ge [sflag:s4], $0x0  }
0x19: {  	s7 =	sld [smem:$0x3F9D]  }
0x1a: {  	s8 =	sadd.s32 $0xFFFFE003, lr  }
0x1b: {  	s9 =	sadd.s32 $0xFFFFFEF7, lr;
	s5 =	simm.s32 $0xFFFFFFFF;
	p2 =	slt.u32 s8, $0xFFFFF086  }
0x1c: {  	p1 =	slt.u32 s9, $0xF7A;
	s5 =	simm.s32 @!p2 $0x0  }
0x1d: {  	s5 =	simm.s32 @p1 $0x1;
	p0 =	seq.s32 s7, s2  }
0x1e: {  	s7 =	smul.u32 @!p0 $0xF7A, s2;
	p2 =	seq.s32 @!p0 s5, $0x0  }
0x1f: {  	s9 =	smul.u32 $0xF7A, s1;
	s8 =	simm.s32 @!p0 $0x1BF5;
	p2 =	por !p2, p0  }
0x20: {  	[sflag:s8] =	ssyncset.s32 @!p0 $0xFFFFF086;
	s6 =	sadd.s32 @!p0 s3, s7;
	s7 =	simm.s32 @!p0 $0x108  }
0x21: {  	s3 =	sadd.s32 s3, s9;
	s6 =	sadd.s32 @!p0 $0x88, s6;
	s7 =	simm.s32 @p2 $0x1082  }
0x22: {  	[simem:s7], [sflag:s8] =	dma.local @!p0 [hbm:s6], $0xF7A  }
0x23: {  	s9 =	sor.u32 $0xD0000000, s2;
	s6 =	simm.s32 $0x108;
	_ =	swait.ge @!p0 [sflag:s8], $0x0  }
0x24: {  	s3 =	sadd.s32 $0x88, s3;
	s6 =	simm.s32 @!p1 $0x1082;
	[sflag:s4] =	ssyncset.s32 $0xFFFFF086  }
0x25: {  	[simem:s6], [sflag:s4] =	dma.local [hbm:s3], $0xF7A  }
0x26: {  	[smem:$0x3F9D] =	sst s1;
	(tag) =	ssettag s2;
	_ =	strace s9  }
0x27: {  	s1 =	sld [smem:$0x3FAD]  }
0x28: {  	s2 =	sld [smem:$0x3FAE]  }
0x29: {  	s4 =	sld [smem:$0x3FB0]  }
0x2a: {  	p0 =	seq.s32 s5, $0x0;
	s5 =	sld [smem:$0x3FB1]  }
0x2b: {  	s6 =	sld [smem:$0x3FB2]  }
0x2c: {  	s7 =	sld [smem:$0x3FB3]  }
0x2d: {  	s3 =	simm.s32 $0x108;
	s8 =	sld [smem:$0x3FB4]  }
0x2e: {  	s3 =	simm.s32 @!p0 $0x1082;
	s9 =	sld [smem:$0x3FB5]  }
0x2f: {  	lr =	sadd.s32 s0, s3;
	s0 =	sld [smem:$0x3FAC]  }
0x30: {  	s3 =	sld [smem:$0x3FAF]  }
0x31: {  	[smem:$0x3FB8] =	sst s10  }
0x32: {  	s10 =	sld [smem:$0x3FB6];
	_ =	sdelay $0x3  }
0x33: {  	p0 =	seq.s32 s10, $0x1;
	s10 =	sld [smem:$0x3FB8];
	_ =	sdelay $0x3  }
0x34: {  	[smem:$0x3FB8] =	sst s10  }
0x35: {  	s10 =	sld [smem:$0x3FB7];
	_ =	sdelay $0x3  }
0x36: {  	p1 =	seq.s32 s10, $0x1;
	s10 =	sld [smem:$0x3FB8];
	_ =	sdelay $0x3  }
0x37: {  	[smem:$0x3FB8] =	sst s10  }
0x38: {  	s10 =	sld [smem:$0x3FB9]  }
0x39: {  	_ = 	snop;
	(pc) =	sbr.ind lr, $3  }
0x3a: {  	_ = 	snop  }
0x3b: {  	_ = 	snop  }
0x3c: {  	p2 =	seq.s32 s10, $0x1;
	s10 =	sld [smem:$0x3FB8]  }
0x3d: {  	_ =	shalt  }
0x3e: {  	_ =	shalt  }
0x3f: {  	_ =	shalt  }
0x40: {  	_ =	shalt  }
0x41: {  	_ =	shalt  }
0x42: {  	_ =	shalt  }
0x43: {  	_ =	shalt  }
0x44: {  	_ =	shalt  }
0x45: {  	_ =	shalt  }
0x46: {  	_ =	shalt  }
0x47: {  	_ =	shalt  }
0x48: {  	_ =	shalt  }
0x49: {  	_ =	shalt  }
0x4a: {  	_ =	shalt  }
0x4b: {  	_ =	shalt  }
0x4c: {  	_ =	shalt  }
0x4d: {  	_ =	shalt  }
0x4e: {  	_ =	shalt  }
0x4f: {  	_ =	shalt  }
0x50: {  	_ =	shalt  }
0x51: {  	_ =	shalt  }
0x52: {  	_ =	shalt  }
0x53: {  	_ =	shalt  }
0x54: {  	_ =	shalt  }
0x55: {  	_ =	shalt  }
0x56: {  	_ =	shalt  }
0x57: {  	_ =	shalt  }
0x58: {  	_ =	shalt  }
0x59: {  	_ =	shalt  }
0x5a: {  	_ =	shalt  }
0x5b: {  	_ =	shalt  }
0x5c: {  	_ =	shalt  }
0x5d: {  	_ =	shalt  }
0x5e: {  	_ =	shalt  }
0x5f: {  	_ =	shalt  }
0x60: {  	_ =	shalt  }
0x61: {  	_ =	shalt  }
0x62: {  	_ =	shalt  }
0x63: {  	_ =	shalt  }
0x64: {  	_ =	shalt  }
0x65: {  	_ =	shalt  }
0x66: {  	_ =	shalt  }
0x67: {  	_ =	shalt  }
0x68: {  	_ =	shalt  }
0x69: {  	_ =	shalt  }
0x6a: {  	_ =	shalt  }
0x6b: {  	_ =	shalt  }
0x6c: {  	_ =	shalt  }
0x6d: {  	_ =	shalt  }
0x6e: {  	_ =	shalt  }
0x6f: {  	_ =	shalt  }
0x70: {  	_ =	shalt  }
0x71: {  	_ =	shalt  }
0x72: {  	_ =	shalt  }
0x73: {  	_ =	shalt  }
0x74: {  	_ =	shalt  }
0x75: {  	_ =	shalt  }
0x76: {  	_ =	shalt  }
0x77: {  	_ =	shalt  }
0x78: {  	_ =	shalt  }
0x79: {  	_ =	shalt  }
0x7a: {  	_ =	shalt  }
0x7b: {  	_ =	shalt  }
0x7c: {  	_ =	shalt  }
0x7d: {  	_ =	shalt  }
0x7e: {  	_ =	shalt  }
0x7f: {  	_ =	shalt  }
0x80: {  	_ =	shalt  }
0x81: {  	_ =	shalt  }
0x82: {  	_ =	shalt  }
0x83: {  	_ =	shalt  }
0x84: {  	_ =	shalt  }
0x85: {  	_ =	shalt  }
0x86: {  	_ =	shalt  }
0x87: {  	_ =	shalt  }
.Lfunc_end0:
.L_simem_size_0:
called_computation_lowered:
.L_overlay_start_0:
0x88: {  	s2 =	sld [smem:$0x3FD9]  }
0x89: {  	s3 =	sld [smem:$0x3FFE];
	_ =	sdelay $0x1  }
0x8a: {  	s1 =	srdreg.scid  }
0x8b: {  	s0 =	sand.u32 $0x1, s1  }
0x8c: {  	s17 =	sshll.u32 s0, $0xA;
	s2 =	sadd.s32 s3, s2  }
0x8d: {  	s2 =	sadd.s32 s2, s17  }
0x8e: {  	[smem:$0x3FC4] =	sst s2  }
0x8f: {  	_ = 	snop  }
0x90: {  	s2 =	sld [smem:$0x3FC9]  }
0x91: {  	s18 =	sld [smem:$0x3FD0];
	(tm) =	ssettm $0x1  }
0x92: {  	s4 =	sld [smem:$0x3FFB];
	_ =	sdelay $0x3  }
0x93: {  	_ =	strace s4  }
0x94: {  	s4 =	sld [smem:$0x3FFC];
	_ =	sdelay $0x3  }
0x95: {  	_ =	strace s4  }
0x96: {  	s4 =	sld [smem:$0x3FFD];
	_ =	sdelay $0x3  }
0x97: {  	_ =	strace s4  }
0x98: {  	_ =	strace $0x8FFFFFFF  }
0x99: {  	s19 =	sld [smem:$0x3FDB];
	_ =	sdelay $0x1  }
0x9a: {  	s5 =	simm.s32 $_scs_section_size  }
0x9b: {  	s6 =	simm.s32 $_size__tile_overlayer_lowered;
	s7 =	simm.s32 $_tile_overlayer_lowered  }
0x9c: {  	s22 =	simm.s32 $0x1BFF;
	s21 =	sshll.u32 s7, $0x1;
	s4 =	sadd.s32 s5, s19  }
0x9d: {  	s8 =	simm.s32 $0x0;
	s20 =	sshll.u32 s6, $0x1;
	s6 =	sadd.s32 s21, s4  }
0x9e: {  	[timem:s8], [sflag:s22] =	dma.local [hbm:s6], s20  }
0x9f: {  	_ =	swait.ge [sflag:s22], s20  }
0xa0: {  	s5 =	ssub.s32 $0x0, s20;
	[sflag:s22] =	ssyncset.done $0x0  }
0xa1: {  	[sflag:s22] =	ssyncadd.s32 s5;
	_ =	sdelay $0x1  }
0xa2: {  	s23 =	simm.s32 $0x1B8B  }
0xa3: {  	_ =	swait.ge [sflag:s23], $0x1  }
0xa4: {  	[sflag:s23] =	ssyncset.done $0x0  }
0xa5: {  	s25 =	simm.s32 $0x1B8E;
	s24 =	sld [smem:$0x3FFE];
	[sflag:s23] =	ssyncadd.s32 $0xFFFFFFFF  }
0xa6: {  	s26 =	simm.s32 $execute0_lowered;
	[smem:$0x3FD2] =	sst s25  }
0xa7: {  	s6 =	sshll.u32 s26, $0x1;
	_ =	strace $0x80000046;
	[dreg:$0x1] =	wrdreg $0xFFFFFFFF  }
0xa8: {  	s28 =	simm.s32 $_size_execute0_lowered;
	s4 =	sadd.s32 s4, s6;
	[dreg:$0x0] =	wrdreg $0x0  }
0xa9: {  	s6 =	sshll.u32 s28, $0x1;
	[dreg:$0x2] =	wrdreg s4  }
0xaa: {  	[dreg:$0x3] =	wrdreg s6  }
0xab: {  	[dreg:$0x4] =	wrdreg $0xC0  }
0xac: {  	_ =	task [dreg:s8], $0x5FFFF  }
0xad: {  	[dreg:$0x1] =	wrdreg $0xFFFFFFFF  }
0xae: {  	[dreg:$0x0] =	wrdreg $0x60  }
0xaf: {  	[dreg:$0x2] =	wrdreg s24  }
0xb0: {  	[dreg:$0x3] =	wrdreg s2  }
0xb1: {  	[dreg:$0x4] =	wrdreg s18  }
0xb2: {  	[dreg:$0x5] =	wrdreg $0x0  }
0xb3: {  	[dreg:$0x6] =	wrdreg $0x9  }
0xb4: {  	_ =	task.clear_ibuf [dreg:s8], $0x7FFFF;
	_ =	strace $0x90000046  }
0xb5: {  	s29 =	simm.s32 $0x9;
	_ =	strace $0x80000048  }
0xb6: {  	_ =	swait.ge [sflag:s29], $0x1  }
0xb7: {  	[sflag:s29] =	ssyncadd.s32 $0xFFFFFFFF  }
0xb8: {  	_ =	strace $0x90000048  }
0xb9: {  	_ =	sfence  }
0xba: {  	s30 =	sld [smem:$0x0];
	_ =	sdelay $0x2  }
0xbb: {  	s31 =	sshll.u32 s1, $0xD;
	s1 =	sshrl.u32 s1, $0x2  }
0xbc: {  	s3 =	sand.u32 $0x4000, s31;
	s1 =	sadd.s32 s1, s30  }
0xbd: {  	s0 =	sor.u32 s3, s0;
	s1 =	sshll.u32 s1, $0x11  }
0xbe: {  	s0 =	sor.u32 s1, s0  }
0xbf: {  	s0 =	sadd.s32 $0x8F2B, s0  }
0xc0: {  	[sflag:s0] =	ssyncadd.remote.s32 $0x1  }
0xc1: {  	_ =	sfence.sel $0xFFFF  }
0xc2: {  	[dreg:$0x0] =	wrdreg $0xFFFFFFFF;
	(pc) =	sbr.abs _section_cstart, $3  }
0xc3: {  	[dreg:$0x1] =	wrdreg $0xFFFFFFFF  }
0xc4: {  	_ =	task.clear_ibuf [dreg:s8], $0x2FFFF;
	_ =	strace $0x9FFFFFFF  }
0xc5: {  	(tm) =	ssettm $0x7FFFFFFF  }
tec
execute0_lowered:
.L_overlay_start_1:
0x0: {  	(tag) =	ssettag $0x1  }
0x1: {  	s4 =	rddreg [dreg:$0x0]  }
0x2: {  	s5 =	rddreg [dreg:$0x1]  }
0x3: {  	s6 =	rddreg [dreg:$0x2]  }
0x4: {  	s1 =	rddreg [dreg:$0x3]  }
0x5: {  	s0 =	rddreg [dreg:$0x4];
	s2 =	simm.s32 $0x0;
	s3 =	srdreg.scid  }
0x6: {  	s20 =	stileid.u32;
	s11 =	simm.s32 $0x80;
	s12 =	simm.s32 $0x1C41  }
0x7: {  	s13 =	simm.s32 $0x400;
	s14 =	simm.s32 $0x8000;
	s15 =	simm.s32 $0x1DC00  }
0x8: {  	s17 =	simm.s32 $0x1F400;
	s18 =	simm.s32 $0x1C00;
	s19 =	simm.s32 $0x1F800  }
0x9: {  	s21 =	simm.s32 $0x0;
	[smem:$0x7FF] =	sst s2;
	s7 =	sand.u32 $0x1, s3  }
0xa: {  	s9 =	sshll.u32 s20, $0x1;
	s3 =	sadd.s32 $0xA00, s4;
	s30 =	sadd.s32 $0xE000, s1  }
0xb: {  	v0 =	vlaneseq.u32;
	s4 =	sadd.s32 $0xEA00, s4;
	p0 =	seq.s32 s20, $0x1;
	p1 =	sne.s32 s20, $0x0  }
0xc: {  	v0 =	vmul.u32 $0x2, v0;
	s20 =	simm.s32 $0x1C01;
	_ =	strace $0x80000047;
	s8 =	ssub.s32 $0x2, s7  }
0xd: {  	s7 =	sor.u32 s7, s9;
	s9 =	simm.s32 $0x1;
	s10 =	sshrl.u32 s8, $0x1  }
0xe: {  	s31 =	sshll.u32 s7, $0x7;
	s7 =	sshll.u32 s7, $0x5;
	v1 =	vor.u32 $0x1, v0;
	s8 =	ssub.s32 s8, s10  }
0xf: {  	v2 =	vor.u32 $0x20, v0;
	v3 =	vor.u32 $0x21, v0;
	v4 =	vor.u32 $0x40, v0;
	s5 =	sadd.s32 s5, s31;
	s6 =	sadd.s32 s6, s7;
	s10 =	simm.s32 $0x10  }
0x10: {  	v5 =	vor.u32 $0x41, v0;
	v6 =	vor.u32 $0x60, v0;
	v7 =	vor.u32 $0x61, v0;
	s7 =	smax.u32 s8, $0x1;
	s8 =	sshrl.u32 s30, $0x3;
	s16 =	sadd.s32 $0x6000, s5  }
.LBB2_1:
.Ltmp0:
0x11: {  	(pc) =	sbr.rel @p0 .LBB2_4-.Ltmp0, $1  }
0x12: {  	_ =	sdelay $0x3  }
.Ltmp1:
0x13: {  	(pc) =	sbr.rel @p1 .LBB2_6-.Ltmp1, $1  }
0x14: {  	_ =	sdelay $0x3  }
.Ltmp2:
0x15: {  	(pc) =	sbr.rel .LBB2_5-.Ltmp2, $3  }
0x16: {  	_ =	sdelay $0x1  }
0x17: {  	s22 =	sshrl.u32 s1, $0x3  }
0x18: {  	[spmem:s22@s10], [sflag:s20] =	dma.strided [hbm:s3@s11], $0x1C00, s9, $0x10   }
.LBB2_4:
0x19: {  	[spmem:s8@s10], [sflag:s12] =	dma.strided [hbm:s4@s11], $0x1C00, s9, $0x10   }
.LBB2_5:
0x1a: {  	_ =	swait.ge [sflag:s9], $0x1C00  }
0x1b: {  	[sflag:s9] =	ssyncset.done $0x0  }
0x1c: {  	[sflag:s9] =	ssyncadd.s32 $0xFFFFE400  }
.LBB2_6:
0x1d: {  	[tilespmem:s15], [sflag:$0x1] =	stream.strided.gather [hbm4b:s5+s13], $0x1800, s14, s13, $0x38;
	[tilespmem:$0x1F900] =	vst v63  }
0x1e: {  	_ = 	snop  }
0x1f: {  	[tilespmem:s17], [sflag:$0x1] =	stream.linear.gather [hbm4b:s16+s2], $0x100, $0x38;
	[tilespmem:$0x1F900] =	vst v63  }
0x20: {  	_ =	swait.ge [sflag:s9], $0x1900  }
0x21: {  	[sflag:s9] =	ssyncset.done $0x0  }
0x22: {  	[sflag:s9] =	ssyncadd.s32 $0xFFFFE700  }
0x23: {  	[bflag:$0x0] =	sbarrier.arrive $0xFFFF  }
0x24: {  	[tilespmem:s18], [sflag:$0x1] =	stream.linear.gather [spmem:s1], $0x1C000, $0x38;
	[tilespmem:$0x1F900] =	vst v63  }
0x25: {  	_ =	swait.ge [sflag:s9], $0x1C000  }
0x26: {  	[sflag:s9] =	ssyncset.done $0x0  }
0x27: {  	s22 =	simm.s32 $0x1DE80;
	[sflag:s9] =	ssyncadd.s32 $0xFFFE4000  }
0x28: {  	v8 =	vld [tilespmem:s22+$0xFFFFFD80];
	_ =	sdelay $0x1  }
0x29: {  	v9 =	vld [tilespmem:s22+$0xFFFFFE00]  }
0x2a: {  	v11 =	vld [tilespmem:s22+$0xFFFFFE80];
	_ =	sdelay $0x1  }
0x2b: {  	v12 =	vld [tilespmem:s22+$0xFFFFFF00]  }
0x2c: {  	v13 =	vld [tilespmem:s22+$0xFFFFFF80]  }
0x2d: {  	v19 =	vld [tilespmem:s22+$0x0]  }
0x2e: {  	v14 =	vld.idx.msk [tilespmem:v8+s18+$0x0], $0xffff  }
0x2f: {  	v10 =	vld [tilespmem:s22+$0x80]  }
0x30: {  	v15 =	vld.idx.msk [tilespmem:v9+s18+$0x0], $0xffff  }
0x31: {  	v18 =	vld.idx.msk [tilespmem:v11+s18+$0x0], $0xffff  }
0x32: {  	v8 =	vld [tilespmem:s22+$0x100]  }
0x33: {  	v11 =	vimm.f32 $0.0e+00;
	v12 =	vld.idx.msk [tilespmem:v12+s18+$0x0], $0xffff;
	v9 =	vand.u32 $0xFFFF0000, v14;
	v14 =	vshll.u32 v14, $0x10  }
0x34: {  	v13 =	vld.idx.msk [tilespmem:v13+s18+$0x0], $0xffff;
	v16 =	vadd.f32 v9, v11;
	v14 =	vadd.f32 v14, v11  }
0x35: {  	v17 =	vshll.u32 v15, $0x10;
	v9 =	vld [tilespmem:s22+$0x180];
	v11 =	vand.u32 $0xFFFF0000, v15  }
0x36: {  	v15 =	vadd.f32 v11, v16;
	v11 =	vld [tilespmem:s22+$0x200];
	v16 =	vadd.f32 v17, v14  }
0x37: {  	s23 =	simm.s32 $0x1E380;
	s22 =	simm.s32 $0x0;
	v17 =	vand.u32 $0xFFFF0000, v18;
	v18 =	vshll.u32 v18, $0x10;
	v14 =	vld.idx.msk [tilespmem:v19+s18+$0x0], $0xffff  }
.LBB2_7:
0x38: {  	v19 =	vld [tilespmem:s23+$0xFFFFFD80];
	v15 =	vadd.f32 v17, v15;
	v16 =	vadd.f32 v18, v16  }
0x39: {  	s22 =	sadd.s32 $0xA, s22;
	v17 =	vand.u32 $0xFFFF0000, v12;
	v12 =	vshll.u32 v12, $0x10;
	v10 =	vld.idx.msk [tilespmem:v10+s18+$0x0], $0xffff  }
0x3a: {  	p2 =	slt.u32 s22, $0x28;
	v18 =	vld [tilespmem:s23+$0xFFFFFE00];
	v15 =	vadd.f32 v17, v15;
	v12 =	vadd.f32 v12, v16  }
0x3b: {  	v16 =	vand.u32 $0xFFFF0000, v13;
	v13 =	vshll.u32 v13, $0x10;
	v8 =	vld.idx.msk [tilespmem:v8+s18+$0x0], $0xffff  }
0x3c: {  	v17 =	vld [tilespmem:s23+$0xFFFFFE80];
	v15 =	vadd.f32 v16, v15;
	v12 =	vadd.f32 v13, v12  }
0x3d: {  	v13 =	vand.u32 $0xFFFF0000, v14;
	v14 =	vshll.u32 v14, $0x10;
	v9 =	vld.idx.msk [tilespmem:v9+s18+$0x0], $0xffff  }
0x3e: {  	v16 =	vld [tilespmem:s23+$0xFFFFFF00];
	v13 =	vadd.f32 v13, v15;
	v12 =	vadd.f32 v14, v12  }
0x3f: {  	v14 =	vand.u32 $0xFFFF0000, v10;
	v10 =	vshll.u32 v10, $0x10;
	v11 =	vld.idx.msk [tilespmem:v11+s18+$0x0], $0xffff  }
0x40: {  	v15 =	vld [tilespmem:s23+$0xFFFFFF80];
	v13 =	vadd.f32 v14, v13;
	v10 =	vadd.f32 v10, v12  }
0x41: {  	v14 =	vand.u32 $0xFFFF0000, v8;
	v8 =	vshll.u32 v8, $0x10;
	v12 =	vld.idx.msk [tilespmem:v19+s18+$0x0], $0xffff  }
0x42: {  	v19 =	vld [tilespmem:s23+$0x0];
	v13 =	vadd.f32 v14, v13;
	v8 =	vadd.f32 v8, v10  }
0x43: {  	v14 =	vld.idx.msk [tilespmem:v18+s18+$0x0], $0xffff;
	v18 =	vand.u32 $0xFFFF0000, v9;
	v9 =	vshll.u32 v9, $0x10  }
0x44: {  	v10 =	vld [tilespmem:s23+$0x80];
	v13 =	vadd.f32 v18, v13;
	v9 =	vadd.f32 v9, v8  }
0x45: {  	v18 =	vld.idx.msk [tilespmem:v17+s18+$0x0], $0xffff;
	v17 =	vand.u32 $0xFFFF0000, v11;
	v11 =	vshll.u32 v11, $0x10  }
0x46: {  	v8 =	vld [tilespmem:s23+$0x100];
	v13 =	vadd.f32 v17, v13;
	v9 =	vadd.f32 v11, v9  }
.Ltmp3:
0x47: {  	v11 =	vand.u32 $0xFFFF0000, v12;
	v17 =	vshll.u32 v12, $0x10;
	v12 =	vld.idx.msk [tilespmem:v16+s18+$0x0], $0xffff;
	(pc) =	sbr.rel @p2 .LBB2_7-.Ltmp3, $4  }
0x48: {  	v11 =	vadd.f32 v11, v13;
	v16 =	vadd.f32 v17, v9;
	v9 =	vld [tilespmem:s23+$0x180]  }
0x49: {  	v17 =	vand.u32 $0xFFFF0000, v14;
	v14 =	vshll.u32 v14, $0x10;
	v13 =	vld.idx.msk [tilespmem:v15+s18+$0x0], $0xffff  }
0x4a: {  	v15 =	vadd.f32 v17, v11;
	v16 =	vadd.f32 v14, v16;
	v11 =	vld [tilespmem:s23+$0x200]  }
0x4b: {  	v17 =	vand.u32 $0xFFFF0000, v18;
	v18 =	vshll.u32 v18, $0x10;
	s23 =	sadd.s32 $0x500, s23;
	v14 =	vld.idx.msk [tilespmem:v19+s18+$0x0], $0xffff  }
0x4c: {  	_ =	sdelay $0x1  }
0x4d: {  	v15 =	vadd.f32 v17, v15  }
0x4e: {  	v16 =	vadd.f32 v18, v16;
	v17 =	vand.u32 $0xFFFF0000, v12  }
0x4f: {  	v12 =	vshll.u32 v12, $0x10;
	v10 =	vld.idx.msk [tilespmem:v10+s18+$0x0], $0xffff;
	v15 =	vadd.f32 v17, v15  }
0x50: {  	v12 =	vadd.f32 v12, v16;
	v16 =	vand.u32 $0xFFFF0000, v13  }
0x51: {  	v8 =	vld.idx.msk [tilespmem:v8+s18+$0x0], $0xffff;
	v13 =	vshll.u32 v13, $0x10;
	v15 =	vadd.f32 v16, v15  }
0x52: {  	v12 =	vadd.f32 v13, v12;
	v13 =	vand.u32 $0xFFFF0000, v14  }
0x53: {  	v9 =	vld.idx.msk [tilespmem:v9+s18+$0x0], $0xffff;
	v14 =	vshll.u32 v14, $0x10;
	v13 =	vadd.f32 v13, v15  }
0x54: {  	v12 =	vadd.f32 v14, v12;
	v14 =	vand.u32 $0xFFFF0000, v10  }
0x55: {  	v11 =	vld.idx.msk [tilespmem:v11+s18+$0x0], $0xffff;
	v10 =	vshll.u32 v10, $0x10;
	v13 =	vadd.f32 v14, v13  }
0x56: {  	v10 =	vadd.f32 v10, v12;
	v12 =	vand.u32 $0xFFFF0000, v8  }
0x57: {  	v8 =	vshll.u32 v8, $0x10;
	v12 =	vadd.f32 v12, v13  }
0x58: {  	v8 =	vadd.f32 v8, v10;
	v10 =	vand.u32 $0xFFFF0000, v9  }
0x59: {  	v9 =	vshll.u32 v9, $0x10;
	v10 =	vadd.f32 v10, v12  }
0x5a: {  	v8 =	vadd.f32 v9, v8;
	v9 =	vand.u32 $0xFFFF0000, v11  }
0x5b: {  	v11 =	vshll.u32 v11, $0x10;
	v9 =	vadd.f32 v9, v10  }
0x5c: {  	v8 =	vadd.f32 v11, v8  }
0x5d: {  	v9 =	vmul.f32 $1.999999960e-02, v9  }
0x5e: {  	v8 =	vmul.f32 $1.999999960e-02, v8  }
0x5f: {  	[tilespmem:v0+s19+$0x0] =	vst.idx.msk $0xffff, v9  }
0x60: {  	s22 =	simm.s32 $0x1DE90;
	[tilespmem:v1+s19+$0x0] =	vst.idx.msk $0xffff, v8  }
0x61: {  	v8 =	vld [tilespmem:s22+$0xFFFFFD80];
	_ =	sdelay $0x1  }
0x62: {  	v9 =	vld [tilespmem:s22+$0xFFFFFE00]  }
0x63: {  	v11 =	vld [tilespmem:s22+$0xFFFFFE80];
	_ =	sdelay $0x1  }
0x64: {  	v12 =	vld [tilespmem:s22+$0xFFFFFF00]  }
0x65: {  	v13 =	vld [tilespmem:s22+$0xFFFFFF80]  }
0x66: {  	v19 =	vld [tilespmem:s22+$0x0]  }
0x67: {  	v14 =	vld.idx.msk [tilespmem:v8+s18+$0x0], $0xffff  }
0x68: {  	v10 =	vld [tilespmem:s22+$0x80]  }
0x69: {  	v15 =	vld.idx.msk [tilespmem:v9+s18+$0x0], $0xffff  }
0x6a: {  	v18 =	vld.idx.msk [tilespmem:v11+s18+$0x0], $0xffff  }
0x6b: {  	v8 =	vld [tilespmem:s22+$0x100]  }
0x6c: {  	v11 =	vimm.f32 $0.0e+00;
	v12 =	vld.idx.msk [tilespmem:v12+s18+$0x0], $0xffff;
	v9 =	vand.u32 $0xFFFF0000, v14;
	v14 =	vshll.u32 v14, $0x10  }
0x6d: {  	v13 =	vld.idx.msk [tilespmem:v13+s18+$0x0], $0xffff;
	v16 =	vadd.f32 v9, v11;
	v14 =	vadd.f32 v14, v11  }
0x6e: {  	v17 =	vshll.u32 v15, $0x10;
	v9 =	vld [tilespmem:s22+$0x180];
	v11 =	vand.u32 $0xFFFF0000, v15  }
0x6f: {  	v15 =	vadd.f32 v11, v16;
	v11 =	vld [tilespmem:s22+$0x200];
	v16 =	vadd.f32 v17, v14  }
0x70: {  	s23 =	simm.s32 $0x1E390;
	s22 =	simm.s32 $0x0;
	v17 =	vand.u32 $0xFFFF0000, v18;
	v18 =	vshll.u32 v18, $0x10;
	v14 =	vld.idx.msk [tilespmem:v19+s18+$0x0], $0xffff  }
.LBB2_9:
0x71: {  	v19 =	vld [tilespmem:s23+$0xFFFFFD80];
	v15 =	vadd.f32 v17, v15;
	v16 =	vadd.f32 v18, v16  }
0x72: {  	s22 =	sadd.s32 $0xA, s22;
	v17 =	vand.u32 $0xFFFF0000, v12;
	v12 =	vshll.u32 v12, $0x10;
	v10 =	vld.idx.msk [tilespmem:v10+s18+$0x0], $0xffff  }
0x73: {  	p2 =	slt.u32 s22, $0x28;
	v18 =	vld [tilespmem:s23+$0xFFFFFE00];
	v15 =	vadd.f32 v17, v15;
	v12 =	vadd.f32 v12, v16  }
0x74: {  	v16 =	vand.u32 $0xFFFF0000, v13;
	v13 =	vshll.u32 v13, $0x10;
	v8 =	vld.idx.msk [tilespmem:v8+s18+$0x0], $0xffff  }
0x75: {  	v17 =	vld [tilespmem:s23+$0xFFFFFE80];
	v15 =	vadd.f32 v16, v15;
	v12 =	vadd.f32 v13, v12  }
0x76: {  	v13 =	vand.u32 $0xFFFF0000, v14;
	v14 =	vshll.u32 v14, $0x10;
	v9 =	vld.idx.msk [tilespmem:v9+s18+$0x0], $0xffff  }
0x77: {  	v16 =	vld [tilespmem:s23+$0xFFFFFF00];
	v13 =	vadd.f32 v13, v15;
	v12 =	vadd.f32 v14, v12  }
0x78: {  	v14 =	vand.u32 $0xFFFF0000, v10;
	v10 =	vshll.u32 v10, $0x10;
	v11 =	vld.idx.msk [tilespmem:v11+s18+$0x0], $0xffff  }
0x79: {  	v15 =	vld [tilespmem:s23+$0xFFFFFF80];
	v13 =	vadd.f32 v14, v13;
	v10 =	vadd.f32 v10, v12  }
0x7a: {  	v14 =	vand.u32 $0xFFFF0000, v8;
	v8 =	vshll.u32 v8, $0x10;
	v12 =	vld.idx.msk [tilespmem:v19+s18+$0x0], $0xffff  }
0x7b: {  	v19 =	vld [tilespmem:s23+$0x0];
	v13 =	vadd.f32 v14, v13;
	v8 =	vadd.f32 v8, v10  }
0x7c: {  	v14 =	vld.idx.msk [tilespmem:v18+s18+$0x0], $0xffff;
	v18 =	vand.u32 $0xFFFF0000, v9;
	v9 =	vshll.u32 v9, $0x10  }
0x7d: {  	v10 =	vld [tilespmem:s23+$0x80];
	v13 =	vadd.f32 v18, v13;
	v9 =	vadd.f32 v9, v8  }
0x7e: {  	v18 =	vld.idx.msk [tilespmem:v17+s18+$0x0], $0xffff;
	v17 =	vand.u32 $0xFFFF0000, v11;
	v11 =	vshll.u32 v11, $0x10  }
0x7f: {  	v8 =	vld [tilespmem:s23+$0x100];
	v13 =	vadd.f32 v17, v13;
	v9 =	vadd.f32 v11, v9  }
.Ltmp4:
0x80: {  	v11 =	vand.u32 $0xFFFF0000, v12;
	v17 =	vshll.u32 v12, $0x10;
	v12 =	vld.idx.msk [tilespmem:v16+s18+$0x0], $0xffff;
	(pc) =	sbr.rel @p2 .LBB2_9-.Ltmp4, $4  }
0x81: {  	v11 =	vadd.f32 v11, v13;
	v16 =	vadd.f32 v17, v9;
	v9 =	vld [tilespmem:s23+$0x180]  }
0x82: {  	v17 =	vand.u32 $0xFFFF0000, v14;
	v14 =	vshll.u32 v14, $0x10;
	v13 =	vld.idx.msk [tilespmem:v15+s18+$0x0], $0xffff  }
0x83: {  	v15 =	vadd.f32 v17, v11;
	v16 =	vadd.f32 v14, v16;
	v11 =	vld [tilespmem:s23+$0x200]  }
0x84: {  	v17 =	vand.u32 $0xFFFF0000, v18;
	v18 =	vshll.u32 v18, $0x10;
	s23 =	sadd.s32 $0x500, s23;
	v14 =	vld.idx.msk [tilespmem:v19+s18+$0x0], $0xffff  }
0x85: {  	_ =	sdelay $0x1  }
0x86: {  	v15 =	vadd.f32 v17, v15  }
0x87: {  	v16 =	vadd.f32 v18, v16;
	v17 =	vand.u32 $0xFFFF0000, v12  }
0x88: {  	v12 =	vshll.u32 v12, $0x10;
	v10 =	vld.idx.msk [tilespmem:v10+s18+$0x0], $0xffff;
	v15 =	vadd.f32 v17, v15  }
0x89: {  	v12 =	vadd.f32 v12, v16;
	v16 =	vand.u32 $0xFFFF0000, v13  }
0x8a: {  	v8 =	vld.idx.msk [tilespmem:v8+s18+$0x0], $0xffff;
	v13 =	vshll.u32 v13, $0x10;
	v15 =	vadd.f32 v16, v15  }
0x8b: {  	v12 =	vadd.f32 v13, v12;
	v13 =	vand.u32 $0xFFFF0000, v14  }
0x8c: {  	v9 =	vld.idx.msk [tilespmem:v9+s18+$0x0], $0xffff;
	v14 =	vshll.u32 v14, $0x10;
	v13 =	vadd.f32 v13, v15  }
0x8d: {  	v12 =	vadd.f32 v14, v12;
	v14 =	vand.u32 $0xFFFF0000, v10  }
0x8e: {  	v11 =	vld.idx.msk [tilespmem:v11+s18+$0x0], $0xffff;
	v10 =	vshll.u32 v10, $0x10;
	v13 =	vadd.f32 v14, v13  }
0x8f: {  	v10 =	vadd.f32 v10, v12;
	v12 =	vand.u32 $0xFFFF0000, v8  }
0x90: {  	v8 =	vshll.u32 v8, $0x10;
	v12 =	vadd.f32 v12, v13  }
0x91: {  	v8 =	vadd.f32 v8, v10;
	v10 =	vand.u32 $0xFFFF0000, v9  }
0x92: {  	v9 =	vshll.u32 v9, $0x10;
	v10 =	vadd.f32 v10, v12  }
0x93: {  	v8 =	vadd.f32 v9, v8;
	v9 =	vand.u32 $0xFFFF0000, v11  }
0x94: {  	v11 =	vshll.u32 v11, $0x10;
	v9 =	vadd.f32 v9, v10  }
0x95: {  	v8 =	vadd.f32 v11, v8  }
0x96: {  	v9 =	vmul.f32 $1.999999960e-02, v9  }
0x97: {  	v8 =	vmul.f32 $1.999999960e-02, v8  }
0x98: {  	[tilespmem:v2+s19+$0x0] =	vst.idx.msk $0xffff, v9  }
0x99: {  	s22 =	simm.s32 $0x1DEA0;
	[tilespmem:v3+s19+$0x0] =	vst.idx.msk $0xffff, v8  }
0x9a: {  	v8 =	vld [tilespmem:s22+$0xFFFFFD80];
	_ =	sdelay $0x1  }
0x9b: {  	v9 =	vld [tilespmem:s22+$0xFFFFFE00]  }
0x9c: {  	v11 =	vld [tilespmem:s22+$0xFFFFFE80];
	_ =	sdelay $0x1  }
0x9d: {  	v12 =	vld [tilespmem:s22+$0xFFFFFF00]  }
0x9e: {  	v13 =	vld [tilespmem:s22+$0xFFFFFF80]  }
0x9f: {  	v19 =	vld [tilespmem:s22+$0x0]  }
0xa0: {  	v14 =	vld.idx.msk [tilespmem:v8+s18+$0x0], $0xffff  }
0xa1: {  	v10 =	vld [tilespmem:s22+$0x80]  }
0xa2: {  	v15 =	vld.idx.msk [tilespmem:v9+s18+$0x0], $0xffff  }
0xa3: {  	v18 =	vld.idx.msk [tilespmem:v11+s18+$0x0], $0xffff  }
0xa4: {  	v8 =	vld [tilespmem:s22+$0x100]  }
0xa5: {  	v11 =	vimm.f32 $0.0e+00;
	v12 =	vld.idx.msk [tilespmem:v12+s18+$0x0], $0xffff;
	v9 =	vand.u32 $0xFFFF0000, v14;
	v14 =	vshll.u32 v14, $0x10  }
0xa6: {  	v13 =	vld.idx.msk [tilespmem:v13+s18+$0x0], $0xffff;
	v16 =	vadd.f32 v9, v11;
	v14 =	vadd.f32 v14, v11  }
0xa7: {  	v17 =	vshll.u32 v15, $0x10;
	v9 =	vld [tilespmem:s22+$0x180];
	v11 =	vand.u32 $0xFFFF0000, v15  }
0xa8: {  	v15 =	vadd.f32 v11, v16;
	v11 =	vld [tilespmem:s22+$0x200];
	v16 =	vadd.f32 v17, v14  }
0xa9: {  	s23 =	simm.s32 $0x1E3A0;
	s22 =	simm.s32 $0x0;
	v17 =	vand.u32 $0xFFFF0000, v18;
	v18 =	vshll.u32 v18, $0x10;
	v14 =	vld.idx.msk [tilespmem:v19+s18+$0x0], $0xffff  }
.LBB2_11:
0xaa: {  	v19 =	vld [tilespmem:s23+$0xFFFFFD80];
	v15 =	vadd.f32 v17, v15;
	v16 =	vadd.f32 v18, v16  }
0xab: {  	s22 =	sadd.s32 $0xA, s22;
	v17 =	vand.u32 $0xFFFF0000, v12;
	v12 =	vshll.u32 v12, $0x10;
	v10 =	vld.idx.msk [tilespmem:v10+s18+$0x0], $0xffff  }
0xac: {  	p2 =	slt.u32 s22, $0x28;
	v18 =	vld [tilespmem:s23+$0xFFFFFE00];
	v15 =	vadd.f32 v17, v15;
	v12 =	vadd.f32 v12, v16  }
0xad: {  	v16 =	vand.u32 $0xFFFF0000, v13;
	v13 =	vshll.u32 v13, $0x10;
	v8 =	vld.idx.msk [tilespmem:v8+s18+$0x0], $0xffff  }
0xae: {  	v17 =	vld [tilespmem:s23+$0xFFFFFE80];
	v15 =	vadd.f32 v16, v15;
	v12 =	vadd.f32 v13, v12  }
0xaf: {  	v13 =	vand.u32 $0xFFFF0000, v14;
	v14 =	vshll.u32 v14, $0x10;
	v9 =	vld.idx.msk [tilespmem:v9+s18+$0x0], $0xffff  }
0xb0: {  	v16 =	vld [tilespmem:s23+$0xFFFFFF00];
	v13 =	vadd.f32 v13, v15;
	v12 =	vadd.f32 v14, v12  }
0xb1: {  	v14 =	vand.u32 $0xFFFF0000, v10;
	v10 =	vshll.u32 v10, $0x10;
	v11 =	vld.idx.msk [tilespmem:v11+s18+$0x0], $0xffff  }
0xb2: {  	v15 =	vld [tilespmem:s23+$0xFFFFFF80];
	v13 =	vadd.f32 v14, v13;
	v10 =	vadd.f32 v10, v12  }
0xb3: {  	v14 =	vand.u32 $0xFFFF0000, v8;
	v8 =	vshll.u32 v8, $0x10;
	v12 =	vld.idx.msk [tilespmem:v19+s18+$0x0], $0xffff  }
0xb4: {  	v19 =	vld [tilespmem:s23+$0x0];
	v13 =	vadd.f32 v14, v13;
	v8 =	vadd.f32 v8, v10  }
0xb5: {  	v14 =	vld.idx.msk [tilespmem:v18+s18+$0x0], $0xffff;
	v18 =	vand.u32 $0xFFFF0000, v9;
	v9 =	vshll.u32 v9, $0x10  }
0xb6: {  	v10 =	vld [tilespmem:s23+$0x80];
	v13 =	vadd.f32 v18, v13;
	v9 =	vadd.f32 v9, v8  }
0xb7: {  	v18 =	vld.idx.msk [tilespmem:v17+s18+$0x0], $0xffff;
	v17 =	vand.u32 $0xFFFF0000, v11;
	v11 =	vshll.u32 v11, $0x10  }
0xb8: {  	v8 =	vld [tilespmem:s23+$0x100];
	v13 =	vadd.f32 v17, v13;
	v9 =	vadd.f32 v11, v9  }
.Ltmp5:
0xb9: {  	v11 =	vand.u32 $0xFFFF0000, v12;
	v17 =	vshll.u32 v12, $0x10;
	v12 =	vld.idx.msk [tilespmem:v16+s18+$0x0], $0xffff;
	(pc) =	sbr.rel @p2 .LBB2_11-.Ltmp5, $4  }
0xba: {  	v11 =	vadd.f32 v11, v13;
	v16 =	vadd.f32 v17, v9;
	v9 =	vld [tilespmem:s23+$0x180]  }
0xbb: {  	v17 =	vand.u32 $0xFFFF0000, v14;
	v14 =	vshll.u32 v14, $0x10;
	v13 =	vld.idx.msk [tilespmem:v15+s18+$0x0], $0xffff  }
0xbc: {  	v15 =	vadd.f32 v17, v11;
	v16 =	vadd.f32 v14, v16;
	v11 =	vld [tilespmem:s23+$0x200]  }
0xbd: {  	v17 =	vand.u32 $0xFFFF0000, v18;
	v18 =	vshll.u32 v18, $0x10;
	s23 =	sadd.s32 $0x500, s23;
	v14 =	vld.idx.msk [tilespmem:v19+s18+$0x0], $0xffff  }
0xbe: {  	_ =	sdelay $0x1  }
0xbf: {  	v15 =	vadd.f32 v17, v15  }
0xc0: {  	v16 =	vadd.f32 v18, v16;
	v17 =	vand.u32 $0xFFFF0000, v12  }
0xc1: {  	v12 =	vshll.u32 v12, $0x10;
	v10 =	vld.idx.msk [tilespmem:v10+s18+$0x0], $0xffff;
	v15 =	vadd.f32 v17, v15  }
0xc2: {  	v12 =	vadd.f32 v12, v16;
	v16 =	vand.u32 $0xFFFF0000, v13  }
0xc3: {  	v8 =	vld.idx.msk [tilespmem:v8+s18+$0x0], $0xffff;
	v13 =	vshll.u32 v13, $0x10;
	v15 =	vadd.f32 v16, v15  }
0xc4: {  	v12 =	vadd.f32 v13, v12;
	v13 =	vand.u32 $0xFFFF0000, v14  }
0xc5: {  	v9 =	vld.idx.msk [tilespmem:v9+s18+$0x0], $0xffff;
	v14 =	vshll.u32 v14, $0x10;
	v13 =	vadd.f32 v13, v15  }
0xc6: {  	v12 =	vadd.f32 v14, v12;
	v14 =	vand.u32 $0xFFFF0000, v10  }
0xc7: {  	v11 =	vld.idx.msk [tilespmem:v11+s18+$0x0], $0xffff;
	v10 =	vshll.u32 v10, $0x10;
	v13 =	vadd.f32 v14, v13  }
0xc8: {  	v10 =	vadd.f32 v10, v12;
	v12 =	vand.u32 $0xFFFF0000, v8  }
0xc9: {  	v8 =	vshll.u32 v8, $0x10;
	v12 =	vadd.f32 v12, v13  }
0xca: {  	v8 =	vadd.f32 v8, v10;
	v10 =	vand.u32 $0xFFFF0000, v9  }
0xcb: {  	v9 =	vshll.u32 v9, $0x10;
	v10 =	vadd.f32 v10, v12  }
0xcc: {  	v8 =	vadd.f32 v9, v8;
	v9 =	vand.u32 $0xFFFF0000, v11  }
0xcd: {  	v11 =	vshll.u32 v11, $0x10;
	v9 =	vadd.f32 v9, v10  }
0xce: {  	v8 =	vadd.f32 v11, v8  }
0xcf: {  	v9 =	vmul.f32 $1.999999960e-02, v9  }
0xd0: {  	v8 =	vmul.f32 $1.999999960e-02, v8  }
0xd1: {  	[tilespmem:v4+s19+$0x0] =	vst.idx.msk $0xffff, v9  }
0xd2: {  	s22 =	simm.s32 $0x1DEB0;
	[tilespmem:v5+s19+$0x0] =	vst.idx.msk $0xffff, v8  }
0xd3: {  	v8 =	vld [tilespmem:s22+$0xFFFFFD80];
	_ =	sdelay $0x1  }
0xd4: {  	v9 =	vld [tilespmem:s22+$0xFFFFFE00]  }
0xd5: {  	v11 =	vld [tilespmem:s22+$0xFFFFFE80];
	_ =	sdelay $0x1  }
0xd6: {  	v12 =	vld [tilespmem:s22+$0xFFFFFF00]  }
0xd7: {  	v13 =	vld [tilespmem:s22+$0xFFFFFF80]  }
0xd8: {  	v19 =	vld [tilespmem:s22+$0x0]  }
0xd9: {  	v14 =	vld.idx.msk [tilespmem:v8+s18+$0x0], $0xffff  }
0xda: {  	v10 =	vld [tilespmem:s22+$0x80]  }
0xdb: {  	v15 =	vld.idx.msk [tilespmem:v9+s18+$0x0], $0xffff  }
0xdc: {  	v18 =	vld.idx.msk [tilespmem:v11+s18+$0x0], $0xffff  }
0xdd: {  	v8 =	vld [tilespmem:s22+$0x100]  }
0xde: {  	v11 =	vimm.f32 $0.0e+00;
	v12 =	vld.idx.msk [tilespmem:v12+s18+$0x0], $0xffff;
	v9 =	vand.u32 $0xFFFF0000, v14;
	v14 =	vshll.u32 v14, $0x10  }
0xdf: {  	v13 =	vld.idx.msk [tilespmem:v13+s18+$0x0], $0xffff;
	v16 =	vadd.f32 v9, v11;
	v14 =	vadd.f32 v14, v11  }
0xe0: {  	v17 =	vshll.u32 v15, $0x10;
	v9 =	vld [tilespmem:s22+$0x180];
	v11 =	vand.u32 $0xFFFF0000, v15  }
0xe1: {  	v15 =	vadd.f32 v11, v16;
	v11 =	vld [tilespmem:s22+$0x200];
	v16 =	vadd.f32 v17, v14  }
0xe2: {  	s23 =	simm.s32 $0x1E3B0;
	s22 =	simm.s32 $0x0;
	v17 =	vand.u32 $0xFFFF0000, v18;
	v18 =	vshll.u32 v18, $0x10;
	v14 =	vld.idx.msk [tilespmem:v19+s18+$0x0], $0xffff  }
.LBB2_13:
0xe3: {  	v19 =	vld [tilespmem:s23+$0xFFFFFD80];
	v15 =	vadd.f32 v17, v15;
	v16 =	vadd.f32 v18, v16  }
0xe4: {  	s22 =	sadd.s32 $0xA, s22;
	v17 =	vand.u32 $0xFFFF0000, v12;
	v12 =	vshll.u32 v12, $0x10;
	v10 =	vld.idx.msk [tilespmem:v10+s18+$0x0], $0xffff  }
0xe5: {  	p2 =	slt.u32 s22, $0x28;
	v18 =	vld [tilespmem:s23+$0xFFFFFE00];
	v15 =	vadd.f32 v17, v15;
	v12 =	vadd.f32 v12, v16  }
0xe6: {  	v16 =	vand.u32 $0xFFFF0000, v13;
	v13 =	vshll.u32 v13, $0x10;
	v8 =	vld.idx.msk [tilespmem:v8+s18+$0x0], $0xffff  }
0xe7: {  	v17 =	vld [tilespmem:s23+$0xFFFFFE80];
	v15 =	vadd.f32 v16, v15;
	v12 =	vadd.f32 v13, v12  }
0xe8: {  	v13 =	vand.u32 $0xFFFF0000, v14;
	v14 =	vshll.u32 v14, $0x10;
	v9 =	vld.idx.msk [tilespmem:v9+s18+$0x0], $0xffff  }
0xe9: {  	v16 =	vld [tilespmem:s23+$0xFFFFFF00];
	v13 =	vadd.f32 v13, v15;
	v12 =	vadd.f32 v14, v12  }
0xea: {  	v14 =	vand.u32 $0xFFFF0000, v10;
	v10 =	vshll.u32 v10, $0x10;
	v11 =	vld.idx.msk [tilespmem:v11+s18+$0x0], $0xffff  }
0xeb: {  	v15 =	vld [tilespmem:s23+$0xFFFFFF80];
	v13 =	vadd.f32 v14, v13;
	v10 =	vadd.f32 v10, v12  }
0xec: {  	v14 =	vand.u32 $0xFFFF0000, v8;
	v8 =	vshll.u32 v8, $0x10;
	v12 =	vld.idx.msk [tilespmem:v19+s18+$0x0], $0xffff  }
0xed: {  	v19 =	vld [tilespmem:s23+$0x0];
	v13 =	vadd.f32 v14, v13;
	v8 =	vadd.f32 v8, v10  }
0xee: {  	v14 =	vld.idx.msk [tilespmem:v18+s18+$0x0], $0xffff;
	v18 =	vand.u32 $0xFFFF0000, v9;
	v9 =	vshll.u32 v9, $0x10  }
0xef: {  	v10 =	vld [tilespmem:s23+$0x80];
	v13 =	vadd.f32 v18, v13;
	v9 =	vadd.f32 v9, v8  }
0xf0: {  	v18 =	vld.idx.msk [tilespmem:v17+s18+$0x0], $0xffff;
	v17 =	vand.u32 $0xFFFF0000, v11;
	v11 =	vshll.u32 v11, $0x10  }
0xf1: {  	v8 =	vld [tilespmem:s23+$0x100];
	v13 =	vadd.f32 v17, v13;
	v9 =	vadd.f32 v11, v9  }
.Ltmp6:
0xf2: {  	v11 =	vand.u32 $0xFFFF0000, v12;
	v17 =	vshll.u32 v12, $0x10;
	v12 =	vld.idx.msk [tilespmem:v16+s18+$0x0], $0xffff;
	(pc) =	sbr.rel @p2 .LBB2_13-.Ltmp6, $4  }
0xf3: {  	v11 =	vadd.f32 v11, v13;
	v16 =	vadd.f32 v17, v9;
	v9 =	vld [tilespmem:s23+$0x180]  }
0xf4: {  	v17 =	vand.u32 $0xFFFF0000, v14;
	v14 =	vshll.u32 v14, $0x10;
	v13 =	vld.idx.msk [tilespmem:v15+s18+$0x0], $0xffff  }
0xf5: {  	v15 =	vadd.f32 v17, v11;
	v16 =	vadd.f32 v14, v16;
	v11 =	vld [tilespmem:s23+$0x200]  }
0xf6: {  	v17 =	vand.u32 $0xFFFF0000, v18;
	v18 =	vshll.u32 v18, $0x10;
	s23 =	sadd.s32 $0x500, s23;
	v14 =	vld.idx.msk [tilespmem:v19+s18+$0x0], $0xffff  }
0xf7: {  	_ =	sdelay $0x1  }
0xf8: {  	v15 =	vadd.f32 v17, v15  }
0xf9: {  	v16 =	vadd.f32 v18, v16;
	v17 =	vand.u32 $0xFFFF0000, v12  }
0xfa: {  	v12 =	vshll.u32 v12, $0x10;
	v10 =	vld.idx.msk [tilespmem:v10+s18+$0x0], $0xffff;
	v15 =	vadd.f32 v17, v15  }
0xfb: {  	v12 =	vadd.f32 v12, v16;
	v16 =	vand.u32 $0xFFFF0000, v13  }
0xfc: {  	v8 =	vld.idx.msk [tilespmem:v8+s18+$0x0], $0xffff;
	v13 =	vshll.u32 v13, $0x10;
	v15 =	vadd.f32 v16, v15  }
0xfd: {  	v12 =	vadd.f32 v13, v12;
	v13 =	vand.u32 $0xFFFF0000, v14  }
0xfe: {  	v9 =	vld.idx.msk [tilespmem:v9+s18+$0x0], $0xffff;
	v14 =	vshll.u32 v14, $0x10;
	v13 =	vadd.f32 v13, v15  }
0xff: {  	v12 =	vadd.f32 v14, v12;
	v14 =	vand.u32 $0xFFFF0000, v10  }
0x100: {  	v11 =	vld.idx.msk [tilespmem:v11+s18+$0x0], $0xffff;
	v10 =	vshll.u32 v10, $0x10;
	v13 =	vadd.f32 v14, v13  }
0x101: {  	v10 =	vadd.f32 v10, v12;
	v12 =	vand.u32 $0xFFFF0000, v8  }
0x102: {  	v8 =	vshll.u32 v8, $0x10;
	v12 =	vadd.f32 v12, v13  }
0x103: {  	v8 =	vadd.f32 v8, v10;
	v10 =	vand.u32 $0xFFFF0000, v9  }
0x104: {  	v9 =	vshll.u32 v9, $0x10;
	v10 =	vadd.f32 v10, v12  }
0x105: {  	v8 =	vadd.f32 v9, v8;
	v9 =	vand.u32 $0xFFFF0000, v11  }
0x106: {  	v11 =	vshll.u32 v11, $0x10;
	v9 =	vadd.f32 v9, v10  }
0x107: {  	v8 =	vadd.f32 v11, v8  }
0x108: {  	v9 =	vmul.f32 $1.999999960e-02, v9  }
0x109: {  	v8 =	vmul.f32 $1.999999960e-02, v8  }
0x10a: {  	[tilespmem:v6+s19+$0x0] =	vst.idx.msk $0xffff, v9  }
0x10b: {  	s22 =	simm.s32 $0x1DEC0;
	[tilespmem:v7+s19+$0x0] =	vst.idx.msk $0xffff, v8  }
0x10c: {  	v8 =	vld [tilespmem:s22+$0xFFFFFD80];
	_ =	sdelay $0x1  }
0x10d: {  	v9 =	vld [tilespmem:s22+$0xFFFFFE00]  }
0x10e: {  	v11 =	vld [tilespmem:s22+$0xFFFFFE80];
	_ =	sdelay $0x1  }
0x10f: {  	v12 =	vld [tilespmem:s22+$0xFFFFFF00]  }
0x110: {  	v13 =	vld [tilespmem:s22+$0xFFFFFF80]  }
0x111: {  	v19 =	vld [tilespmem:s22+$0x0]  }
0x112: {  	v14 =	vld.idx.msk [tilespmem:v8+s18+$0x0], $0xffff  }
0x113: {  	v10 =	vld [tilespmem:s22+$0x80]  }
0x114: {  	v15 =	vld.idx.msk [tilespmem:v9+s18+$0x0], $0xffff  }
0x115: {  	v18 =	vld.idx.msk [tilespmem:v11+s18+$0x0], $0xffff  }
0x116: {  	v8 =	vld [tilespmem:s22+$0x100]  }
0x117: {  	v11 =	vimm.f32 $0.0e+00;
	v12 =	vld.idx.msk [tilespmem:v12+s18+$0x0], $0xffff;
	v9 =	vand.u32 $0xFFFF0000, v14;
	v14 =	vshll.u32 v14, $0x10  }
0x118: {  	v13 =	vld.idx.msk [tilespmem:v13+s18+$0x0], $0xffff;
	v16 =	vadd.f32 v9, v11;
	v14 =	vadd.f32 v14, v11  }
0x119: {  	v17 =	vshll.u32 v15, $0x10;
	v9 =	vld [tilespmem:s22+$0x180];
	v11 =	vand.u32 $0xFFFF0000, v15  }
0x11a: {  	v15 =	vadd.f32 v11, v16;
	v11 =	vld [tilespmem:s22+$0x200];
	v16 =	vadd.f32 v17, v14  }
0x11b: {  	s23 =	simm.s32 $0x1E3C0;
	s22 =	simm.s32 $0x0;
	v17 =	vand.u32 $0xFFFF0000, v18;
	v18 =	vshll.u32 v18, $0x10;
	v14 =	vld.idx.msk [tilespmem:v19+s18+$0x0], $0xffff  }
.LBB2_15:
0x11c: {  	v19 =	vld [tilespmem:s23+$0xFFFFFD80];
	v15 =	vadd.f32 v17, v15;
	v16 =	vadd.f32 v18, v16  }
0x11d: {  	s22 =	sadd.s32 $0xA, s22;
	v17 =	vand.u32 $0xFFFF0000, v12;
	v12 =	vshll.u32 v12, $0x10;
	v10 =	vld.idx.msk [tilespmem:v10+s18+$0x0], $0xffff  }
0x11e: {  	p2 =	slt.u32 s22, $0x28;
	v18 =	vld [tilespmem:s23+$0xFFFFFE00];
	v15 =	vadd.f32 v17, v15;
	v12 =	vadd.f32 v12, v16  }
0x11f: {  	v16 =	vand.u32 $0xFFFF0000, v13;
	v13 =	vshll.u32 v13, $0x10;
	v8 =	vld.idx.msk [tilespmem:v8+s18+$0x0], $0xffff  }
0x120: {  	v17 =	vld [tilespmem:s23+$0xFFFFFE80];
	v15 =	vadd.f32 v16, v15;
	v12 =	vadd.f32 v13, v12  }
0x121: {  	v13 =	vand.u32 $0xFFFF0000, v14;
	v14 =	vshll.u32 v14, $0x10;
	v9 =	vld.idx.msk [tilespmem:v9+s18+$0x0], $0xffff  }
0x122: {  	v16 =	vld [tilespmem:s23+$0xFFFFFF00];
	v13 =	vadd.f32 v13, v15;
	v12 =	vadd.f32 v14, v12  }
0x123: {  	v14 =	vand.u32 $0xFFFF0000, v10;
	v10 =	vshll.u32 v10, $0x10;
	v11 =	vld.idx.msk [tilespmem:v11+s18+$0x0], $0xffff  }
0x124: {  	v15 =	vld [tilespmem:s23+$0xFFFFFF80];
	v13 =	vadd.f32 v14, v13;
	v10 =	vadd.f32 v10, v12  }
0x125: {  	v14 =	vand.u32 $0xFFFF0000, v8;
	v8 =	vshll.u32 v8, $0x10;
	v12 =	vld.idx.msk [tilespmem:v19+s18+$0x0], $0xffff  }
0x126: {  	v19 =	vld [tilespmem:s23+$0x0];
	v13 =	vadd.f32 v14, v13;
	v8 =	vadd.f32 v8, v10  }
0x127: {  	v14 =	vld.idx.msk [tilespmem:v18+s18+$0x0], $0xffff;
	v18 =	vand.u32 $0xFFFF0000, v9;
	v9 =	vshll.u32 v9, $0x10  }
0x128: {  	v10 =	vld [tilespmem:s23+$0x80];
	v13 =	vadd.f32 v18, v13;
	v9 =	vadd.f32 v9, v8  }
0x129: {  	v18 =	vld.idx.msk [tilespmem:v17+s18+$0x0], $0xffff;
	v17 =	vand.u32 $0xFFFF0000, v11;
	v11 =	vshll.u32 v11, $0x10  }
0x12a: {  	v8 =	vld [tilespmem:s23+$0x100];
	v13 =	vadd.f32 v17, v13;
	v9 =	vadd.f32 v11, v9  }
.Ltmp7:
0x12b: {  	v11 =	vand.u32 $0xFFFF0000, v12;
	v17 =	vshll.u32 v12, $0x10;
	v12 =	vld.idx.msk [tilespmem:v16+s18+$0x0], $0xffff;
	(pc) =	sbr.rel @p2 .LBB2_15-.Ltmp7, $4  }
0x12c: {  	v11 =	vadd.f32 v11, v13;
	v16 =	vadd.f32 v17, v9;
	v9 =	vld [tilespmem:s23+$0x180]  }
0x12d: {  	v17 =	vand.u32 $0xFFFF0000, v14;
	v14 =	vshll.u32 v14, $0x10;
	v13 =	vld.idx.msk [tilespmem:v15+s18+$0x0], $0xffff  }
0x12e: {  	v15 =	vadd.f32 v17, v11;
	v16 =	vadd.f32 v14, v16;
	v11 =	vld [tilespmem:s23+$0x200]  }
0x12f: {  	v17 =	vand.u32 $0xFFFF0000, v18;
	v18 =	vshll.u32 v18, $0x10;
	s23 =	sadd.s32 $0x500, s23;
	v14 =	vld.idx.msk [tilespmem:v19+s18+$0x0], $0xffff  }
0x130: {  	_ =	sdelay $0x1  }
0x131: {  	v15 =	vadd.f32 v17, v15  }
0x132: {  	v16 =	vadd.f32 v18, v16;
	v17 =	vand.u32 $0xFFFF0000, v12  }
0x133: {  	v12 =	vshll.u32 v12, $0x10;
	v10 =	vld.idx.msk [tilespmem:v10+s18+$0x0], $0xffff;
	v15 =	vadd.f32 v17, v15  }
0x134: {  	v12 =	vadd.f32 v12, v16;
	v16 =	vand.u32 $0xFFFF0000, v13  }
0x135: {  	v8 =	vld.idx.msk [tilespmem:v8+s18+$0x0], $0xffff;
	v13 =	vshll.u32 v13, $0x10;
	v15 =	vadd.f32 v16, v15  }
0x136: {  	v12 =	vadd.f32 v13, v12;
	v13 =	vand.u32 $0xFFFF0000, v14  }
0x137: {  	v9 =	vld.idx.msk [tilespmem:v9+s18+$0x0], $0xffff;
	v14 =	vshll.u32 v14, $0x10;
	v13 =	vadd.f32 v13, v15  }
0x138: {  	v12 =	vadd.f32 v14, v12;
	v14 =	vand.u32 $0xFFFF0000, v10  }
0x139: {  	v11 =	vld.idx.msk [tilespmem:v11+s18+$0x0], $0xffff;
	v10 =	vshll.u32 v10, $0x10;
	v13 =	vadd.f32 v14, v13  }
0x13a: {  	v10 =	vadd.f32 v10, v12;
	v12 =	vand.u32 $0xFFFF0000, v8  }
0x13b: {  	v8 =	vshll.u32 v8, $0x10;
	v12 =	vadd.f32 v12, v13  }
0x13c: {  	v8 =	vadd.f32 v8, v10;
	v10 =	vand.u32 $0xFFFF0000, v9  }
0x13d: {  	v9 =	vshll.u32 v9, $0x10;
	v10 =	vadd.f32 v10, v12  }
0x13e: {  	v8 =	vadd.f32 v9, v8;
	v9 =	vand.u32 $0xFFFF0000, v11;
	v12 =	vor.u32 $0x80, v0  }
0x13f: {  	v11 =	vshll.u32 v11, $0x10;
	v9 =	vadd.f32 v9, v10;
	v10 =	vor.u32 $0x81, v0  }
0x140: {  	v8 =	vadd.f32 v11, v8  }
0x141: {  	v9 =	vmul.f32 $1.999999960e-02, v9  }
0x142: {  	v8 =	vmul.f32 $1.999999960e-02, v8  }
0x143: {  	[tilespmem:v12+s19+$0x0] =	vst.idx.msk $0xffff, v9  }
0x144: {  	s22 =	simm.s32 $0x1DED0;
	[tilespmem:v10+s19+$0x0] =	vst.idx.msk $0xffff, v8  }
0x145: {  	v8 =	vld [tilespmem:s22+$0xFFFFFD80];
	_ =	sdelay $0x1  }
0x146: {  	v9 =	vld [tilespmem:s22+$0xFFFFFE00]  }
0x147: {  	v11 =	vld [tilespmem:s22+$0xFFFFFE80];
	_ =	sdelay $0x1  }
0x148: {  	v12 =	vld [tilespmem:s22+$0xFFFFFF00]  }
0x149: {  	v13 =	vld [tilespmem:s22+$0xFFFFFF80]  }
0x14a: {  	v19 =	vld [tilespmem:s22+$0x0]  }
0x14b: {  	v14 =	vld.idx.msk [tilespmem:v8+s18+$0x0], $0xffff  }
0x14c: {  	v10 =	vld [tilespmem:s22+$0x80]  }
0x14d: {  	v15 =	vld.idx.msk [tilespmem:v9+s18+$0x0], $0xffff  }
0x14e: {  	v18 =	vld.idx.msk [tilespmem:v11+s18+$0x0], $0xffff  }
0x14f: {  	v8 =	vld [tilespmem:s22+$0x100]  }
0x150: {  	v11 =	vimm.f32 $0.0e+00;
	v12 =	vld.idx.msk [tilespmem:v12+s18+$0x0], $0xffff;
	v9 =	vand.u32 $0xFFFF0000, v14;
	v14 =	vshll.u32 v14, $0x10  }
0x151: {  	v13 =	vld.idx.msk [tilespmem:v13+s18+$0x0], $0xffff;
	v16 =	vadd.f32 v9, v11;
	v14 =	vadd.f32 v14, v11  }
0x152: {  	v17 =	vshll.u32 v15, $0x10;
	v9 =	vld [tilespmem:s22+$0x180];
	v11 =	vand.u32 $0xFFFF0000, v15  }
0x153: {  	v15 =	vadd.f32 v11, v16;
	v11 =	vld [tilespmem:s22+$0x200];
	v16 =	vadd.f32 v17, v14  }
0x154: {  	s23 =	simm.s32 $0x1E3D0;
	s22 =	simm.s32 $0x0;
	v17 =	vand.u32 $0xFFFF0000, v18;
	v18 =	vshll.u32 v18, $0x10;
	v14 =	vld.idx.msk [tilespmem:v19+s18+$0x0], $0xffff  }
.LBB2_17:
0x155: {  	v19 =	vld [tilespmem:s23+$0xFFFFFD80];
	v15 =	vadd.f32 v17, v15;
	v16 =	vadd.f32 v18, v16  }
0x156: {  	s22 =	sadd.s32 $0xA, s22;
	v17 =	vand.u32 $0xFFFF0000, v12;
	v12 =	vshll.u32 v12, $0x10;
	v10 =	vld.idx.msk [tilespmem:v10+s18+$0x0], $0xffff  }
0x157: {  	p2 =	slt.u32 s22, $0x28;
	v18 =	vld [tilespmem:s23+$0xFFFFFE00];
	v15 =	vadd.f32 v17, v15;
	v12 =	vadd.f32 v12, v16  }
0x158: {  	v16 =	vand.u32 $0xFFFF0000, v13;
	v13 =	vshll.u32 v13, $0x10;
	v8 =	vld.idx.msk [tilespmem:v8+s18+$0x0], $0xffff  }
0x159: {  	v17 =	vld [tilespmem:s23+$0xFFFFFE80];
	v15 =	vadd.f32 v16, v15;
	v12 =	vadd.f32 v13, v12  }
0x15a: {  	v13 =	vand.u32 $0xFFFF0000, v14;
	v14 =	vshll.u32 v14, $0x10;
	v9 =	vld.idx.msk [tilespmem:v9+s18+$0x0], $0xffff  }
0x15b: {  	v16 =	vld [tilespmem:s23+$0xFFFFFF00];
	v13 =	vadd.f32 v13, v15;
	v12 =	vadd.f32 v14, v12  }
0x15c: {  	v14 =	vand.u32 $0xFFFF0000, v10;
	v10 =	vshll.u32 v10, $0x10;
	v11 =	vld.idx.msk [tilespmem:v11+s18+$0x0], $0xffff  }
0x15d: {  	v15 =	vld [tilespmem:s23+$0xFFFFFF80];
	v13 =	vadd.f32 v14, v13;
	v10 =	vadd.f32 v10, v12  }
0x15e: {  	v14 =	vand.u32 $0xFFFF0000, v8;
	v8 =	vshll.u32 v8, $0x10;
	v12 =	vld.idx.msk [tilespmem:v19+s18+$0x0], $0xffff  }
0x15f: {  	v19 =	vld [tilespmem:s23+$0x0];
	v13 =	vadd.f32 v14, v13;
	v8 =	vadd.f32 v8, v10  }
0x160: {  	v14 =	vld.idx.msk [tilespmem:v18+s18+$0x0], $0xffff;
	v18 =	vand.u32 $0xFFFF0000, v9;
	v9 =	vshll.u32 v9, $0x10  }
0x161: {  	v10 =	vld [tilespmem:s23+$0x80];
	v13 =	vadd.f32 v18, v13;
	v9 =	vadd.f32 v9, v8  }
0x162: {  	v18 =	vld.idx.msk [tilespmem:v17+s18+$0x0], $0xffff;
	v17 =	vand.u32 $0xFFFF0000, v11;
	v11 =	vshll.u32 v11, $0x10  }
0x163: {  	v8 =	vld [tilespmem:s23+$0x100];
	v13 =	vadd.f32 v17, v13;
	v9 =	vadd.f32 v11, v9  }
.Ltmp8:
0x164: {  	v11 =	vand.u32 $0xFFFF0000, v12;
	v17 =	vshll.u32 v12, $0x10;
	v12 =	vld.idx.msk [tilespmem:v16+s18+$0x0], $0xffff;
	(pc) =	sbr.rel @p2 .LBB2_17-.Ltmp8, $4  }
0x165: {  	v11 =	vadd.f32 v11, v13;
	v16 =	vadd.f32 v17, v9;
	v9 =	vld [tilespmem:s23+$0x180]  }
0x166: {  	v17 =	vand.u32 $0xFFFF0000, v14;
	v14 =	vshll.u32 v14, $0x10;
	v13 =	vld.idx.msk [tilespmem:v15+s18+$0x0], $0xffff  }
0x167: {  	v15 =	vadd.f32 v17, v11;
	v16 =	vadd.f32 v14, v16;
	v11 =	vld [tilespmem:s23+$0x200]  }
0x168: {  	v17 =	vand.u32 $0xFFFF0000, v18;
	v18 =	vshll.u32 v18, $0x10;
	s23 =	sadd.s32 $0x500, s23;
	v14 =	vld.idx.msk [tilespmem:v19+s18+$0x0], $0xffff  }
0x169: {  	_ =	sdelay $0x1  }
0x16a: {  	v15 =	vadd.f32 v17, v15  }
0x16b: {  	v16 =	vadd.f32 v18, v16;
	v17 =	vand.u32 $0xFFFF0000, v12  }
0x16c: {  	v12 =	vshll.u32 v12, $0x10;
	v10 =	vld.idx.msk [tilespmem:v10+s18+$0x0], $0xffff;
	v15 =	vadd.f32 v17, v15  }
0x16d: {  	v12 =	vadd.f32 v12, v16;
	v16 =	vand.u32 $0xFFFF0000, v13  }
0x16e: {  	v8 =	vld.idx.msk [tilespmem:v8+s18+$0x0], $0xffff;
	v13 =	vshll.u32 v13, $0x10;
	v15 =	vadd.f32 v16, v15  }
0x16f: {  	v12 =	vadd.f32 v13, v12;
	v13 =	vand.u32 $0xFFFF0000, v14  }
0x170: {  	v9 =	vld.idx.msk [tilespmem:v9+s18+$0x0], $0xffff;
	v14 =	vshll.u32 v14, $0x10;
	v13 =	vadd.f32 v13, v15  }
0x171: {  	v12 =	vadd.f32 v14, v12;
	v14 =	vand.u32 $0xFFFF0000, v10  }
0x172: {  	v11 =	vld.idx.msk [tilespmem:v11+s18+$0x0], $0xffff;
	v10 =	vshll.u32 v10, $0x10;
	v13 =	vadd.f32 v14, v13  }
0x173: {  	v10 =	vadd.f32 v10, v12;
	v12 =	vand.u32 $0xFFFF0000, v8  }
0x174: {  	v8 =	vshll.u32 v8, $0x10;
	v12 =	vadd.f32 v12, v13  }
0x175: {  	v8 =	vadd.f32 v8, v10;
	v10 =	vand.u32 $0xFFFF0000, v9  }
0x176: {  	v9 =	vshll.u32 v9, $0x10;
	v10 =	vadd.f32 v10, v12  }
0x177: {  	v8 =	vadd.f32 v9, v8;
	v9 =	vand.u32 $0xFFFF0000, v11;
	v12 =	vor.u32 $0xA0, v0  }
0x178: {  	v11 =	vshll.u32 v11, $0x10;
	v9 =	vadd.f32 v9, v10;
	v10 =	vor.u32 $0xA1, v0  }
0x179: {  	v8 =	vadd.f32 v11, v8  }
0x17a: {  	v9 =	vmul.f32 $1.999999960e-02, v9  }
0x17b: {  	v8 =	vmul.f32 $1.999999960e-02, v8  }
0x17c: {  	[tilespmem:v12+s19+$0x0] =	vst.idx.msk $0xffff, v9  }
0x17d: {  	s22 =	simm.s32 $0x1DEE0;
	[tilespmem:v10+s19+$0x0] =	vst.idx.msk $0xffff, v8  }
0x17e: {  	v8 =	vld [tilespmem:s22+$0xFFFFFD80];
	_ =	sdelay $0x1  }
0x17f: {  	v9 =	vld [tilespmem:s22+$0xFFFFFE00]  }
0x180: {  	v11 =	vld [tilespmem:s22+$0xFFFFFE80];
	_ =	sdelay $0x1  }
0x181: {  	v12 =	vld [tilespmem:s22+$0xFFFFFF00]  }
0x182: {  	v13 =	vld [tilespmem:s22+$0xFFFFFF80]  }
0x183: {  	v19 =	vld [tilespmem:s22+$0x0]  }
0x184: {  	v14 =	vld.idx.msk [tilespmem:v8+s18+$0x0], $0xffff  }
0x185: {  	v10 =	vld [tilespmem:s22+$0x80]  }
0x186: {  	v15 =	vld.idx.msk [tilespmem:v9+s18+$0x0], $0xffff  }
0x187: {  	v18 =	vld.idx.msk [tilespmem:v11+s18+$0x0], $0xffff  }
0x188: {  	v8 =	vld [tilespmem:s22+$0x100]  }
0x189: {  	v11 =	vimm.f32 $0.0e+00;
	v12 =	vld.idx.msk [tilespmem:v12+s18+$0x0], $0xffff;
	v9 =	vand.u32 $0xFFFF0000, v14;
	v14 =	vshll.u32 v14, $0x10  }
0x18a: {  	v13 =	vld.idx.msk [tilespmem:v13+s18+$0x0], $0xffff;
	v16 =	vadd.f32 v9, v11;
	v14 =	vadd.f32 v14, v11  }
0x18b: {  	v17 =	vshll.u32 v15, $0x10;
	v9 =	vld [tilespmem:s22+$0x180];
	v11 =	vand.u32 $0xFFFF0000, v15  }
0x18c: {  	v15 =	vadd.f32 v11, v16;
	v11 =	vld [tilespmem:s22+$0x200];
	v16 =	vadd.f32 v17, v14  }
0x18d: {  	s23 =	simm.s32 $0x1E3E0;
	s22 =	simm.s32 $0x0;
	v17 =	vand.u32 $0xFFFF0000, v18;
	v18 =	vshll.u32 v18, $0x10;
	v14 =	vld.idx.msk [tilespmem:v19+s18+$0x0], $0xffff  }
.LBB2_19:
0x18e: {  	v19 =	vld [tilespmem:s23+$0xFFFFFD80];
	v15 =	vadd.f32 v17, v15;
	v16 =	vadd.f32 v18, v16  }
0x18f: {  	s22 =	sadd.s32 $0xA, s22;
	v17 =	vand.u32 $0xFFFF0000, v12;
	v12 =	vshll.u32 v12, $0x10;
	v10 =	vld.idx.msk [tilespmem:v10+s18+$0x0], $0xffff  }
0x190: {  	p2 =	slt.u32 s22, $0x28;
	v18 =	vld [tilespmem:s23+$0xFFFFFE00];
	v15 =	vadd.f32 v17, v15;
	v12 =	vadd.f32 v12, v16  }
0x191: {  	v16 =	vand.u32 $0xFFFF0000, v13;
	v13 =	vshll.u32 v13, $0x10;
	v8 =	vld.idx.msk [tilespmem:v8+s18+$0x0], $0xffff  }
0x192: {  	v17 =	vld [tilespmem:s23+$0xFFFFFE80];
	v15 =	vadd.f32 v16, v15;
	v12 =	vadd.f32 v13, v12  }
0x193: {  	v13 =	vand.u32 $0xFFFF0000, v14;
	v14 =	vshll.u32 v14, $0x10;
	v9 =	vld.idx.msk [tilespmem:v9+s18+$0x0], $0xffff  }
0x194: {  	v16 =	vld [tilespmem:s23+$0xFFFFFF00];
	v13 =	vadd.f32 v13, v15;
	v12 =	vadd.f32 v14, v12  }
0x195: {  	v14 =	vand.u32 $0xFFFF0000, v10;
	v10 =	vshll.u32 v10, $0x10;
	v11 =	vld.idx.msk [tilespmem:v11+s18+$0x0], $0xffff  }
0x196: {  	v15 =	vld [tilespmem:s23+$0xFFFFFF80];
	v13 =	vadd.f32 v14, v13;
	v10 =	vadd.f32 v10, v12  }
0x197: {  	v14 =	vand.u32 $0xFFFF0000, v8;
	v8 =	vshll.u32 v8, $0x10;
	v12 =	vld.idx.msk [tilespmem:v19+s18+$0x0], $0xffff  }
0x198: {  	v19 =	vld [tilespmem:s23+$0x0];
	v13 =	vadd.f32 v14, v13;
	v8 =	vadd.f32 v8, v10  }
0x199: {  	v14 =	vld.idx.msk [tilespmem:v18+s18+$0x0], $0xffff;
	v18 =	vand.u32 $0xFFFF0000, v9;
	v9 =	vshll.u32 v9, $0x10  }
0x19a: {  	v10 =	vld [tilespmem:s23+$0x80];
	v13 =	vadd.f32 v18, v13;
	v9 =	vadd.f32 v9, v8  }
0x19b: {  	v18 =	vld.idx.msk [tilespmem:v17+s18+$0x0], $0xffff;
	v17 =	vand.u32 $0xFFFF0000, v11;
	v11 =	vshll.u32 v11, $0x10  }
0x19c: {  	v8 =	vld [tilespmem:s23+$0x100];
	v13 =	vadd.f32 v17, v13;
	v9 =	vadd.f32 v11, v9  }
.Ltmp9:
0x19d: {  	v11 =	vand.u32 $0xFFFF0000, v12;
	v17 =	vshll.u32 v12, $0x10;
	v12 =	vld.idx.msk [tilespmem:v16+s18+$0x0], $0xffff;
	(pc) =	sbr.rel @p2 .LBB2_19-.Ltmp9, $4  }
0x19e: {  	v11 =	vadd.f32 v11, v13;
	v16 =	vadd.f32 v17, v9;
	v9 =	vld [tilespmem:s23+$0x180]  }
0x19f: {  	v17 =	vand.u32 $0xFFFF0000, v14;
	v14 =	vshll.u32 v14, $0x10;
	v13 =	vld.idx.msk [tilespmem:v15+s18+$0x0], $0xffff  }
0x1a0: {  	v15 =	vadd.f32 v17, v11;
	v16 =	vadd.f32 v14, v16;
	v11 =	vld [tilespmem:s23+$0x200]  }
0x1a1: {  	v17 =	vand.u32 $0xFFFF0000, v18;
	v18 =	vshll.u32 v18, $0x10;
	s23 =	sadd.s32 $0x500, s23;
	v14 =	vld.idx.msk [tilespmem:v19+s18+$0x0], $0xffff  }
0x1a2: {  	_ =	sdelay $0x1  }
0x1a3: {  	v15 =	vadd.f32 v17, v15  }
0x1a4: {  	v16 =	vadd.f32 v18, v16;
	v17 =	vand.u32 $0xFFFF0000, v12  }
0x1a5: {  	v12 =	vshll.u32 v12, $0x10;
	v10 =	vld.idx.msk [tilespmem:v10+s18+$0x0], $0xffff;
	v15 =	vadd.f32 v17, v15  }
0x1a6: {  	v12 =	vadd.f32 v12, v16;
	v16 =	vand.u32 $0xFFFF0000, v13  }
0x1a7: {  	v8 =	vld.idx.msk [tilespmem:v8+s18+$0x0], $0xffff;
	v13 =	vshll.u32 v13, $0x10;
	v15 =	vadd.f32 v16, v15  }
0x1a8: {  	v12 =	vadd.f32 v13, v12;
	v13 =	vand.u32 $0xFFFF0000, v14  }
0x1a9: {  	v9 =	vld.idx.msk [tilespmem:v9+s18+$0x0], $0xffff;
	v14 =	vshll.u32 v14, $0x10;
	v13 =	vadd.f32 v13, v15  }
0x1aa: {  	v12 =	vadd.f32 v14, v12;
	v14 =	vand.u32 $0xFFFF0000, v10  }
0x1ab: {  	v11 =	vld.idx.msk [tilespmem:v11+s18+$0x0], $0xffff;
	v10 =	vshll.u32 v10, $0x10;
	v13 =	vadd.f32 v14, v13  }
0x1ac: {  	v10 =	vadd.f32 v10, v12;
	v12 =	vand.u32 $0xFFFF0000, v8  }
0x1ad: {  	v8 =	vshll.u32 v8, $0x10;
	v12 =	vadd.f32 v12, v13  }
0x1ae: {  	v8 =	vadd.f32 v8, v10;
	v10 =	vand.u32 $0xFFFF0000, v9  }
0x1af: {  	v9 =	vshll.u32 v9, $0x10;
	v10 =	vadd.f32 v10, v12  }
0x1b0: {  	v8 =	vadd.f32 v9, v8;
	v9 =	vand.u32 $0xFFFF0000, v11;
	v12 =	vor.u32 $0xC0, v0  }
0x1b1: {  	v11 =	vshll.u32 v11, $0x10;
	v9 =	vadd.f32 v9, v10;
	v10 =	vor.u32 $0xC1, v0  }
0x1b2: {  	v8 =	vadd.f32 v11, v8  }
0x1b3: {  	v9 =	vmul.f32 $1.999999960e-02, v9  }
0x1b4: {  	v8 =	vmul.f32 $1.999999960e-02, v8  }
0x1b5: {  	[tilespmem:v12+s19+$0x0] =	vst.idx.msk $0xffff, v9  }
0x1b6: {  	s22 =	simm.s32 $0x1DEF0;
	[tilespmem:v10+s19+$0x0] =	vst.idx.msk $0xffff, v8  }
0x1b7: {  	v8 =	vld [tilespmem:s22+$0xFFFFFD80];
	_ =	sdelay $0x1  }
0x1b8: {  	v9 =	vld [tilespmem:s22+$0xFFFFFE00]  }
0x1b9: {  	v11 =	vld [tilespmem:s22+$0xFFFFFE80];
	_ =	sdelay $0x1  }
0x1ba: {  	v12 =	vld [tilespmem:s22+$0xFFFFFF00]  }
0x1bb: {  	v13 =	vld [tilespmem:s22+$0xFFFFFF80]  }
0x1bc: {  	v19 =	vld [tilespmem:s22+$0x0]  }
0x1bd: {  	v14 =	vld.idx.msk [tilespmem:v8+s18+$0x0], $0xffff  }
0x1be: {  	v10 =	vld [tilespmem:s22+$0x80]  }
0x1bf: {  	v15 =	vld.idx.msk [tilespmem:v9+s18+$0x0], $0xffff  }
0x1c0: {  	v18 =	vld.idx.msk [tilespmem:v11+s18+$0x0], $0xffff  }
0x1c1: {  	v8 =	vld [tilespmem:s22+$0x100]  }
0x1c2: {  	v11 =	vimm.f32 $0.0e+00;
	v12 =	vld.idx.msk [tilespmem:v12+s18+$0x0], $0xffff;
	v9 =	vand.u32 $0xFFFF0000, v14;
	v14 =	vshll.u32 v14, $0x10  }
0x1c3: {  	v13 =	vld.idx.msk [tilespmem:v13+s18+$0x0], $0xffff;
	v16 =	vadd.f32 v9, v11;
	v14 =	vadd.f32 v14, v11  }
0x1c4: {  	v17 =	vshll.u32 v15, $0x10;
	v9 =	vld [tilespmem:s22+$0x180];
	v11 =	vand.u32 $0xFFFF0000, v15  }
0x1c5: {  	v15 =	vadd.f32 v11, v16;
	v11 =	vld [tilespmem:s22+$0x200];
	v16 =	vadd.f32 v17, v14  }
0x1c6: {  	s23 =	simm.s32 $0x1E3F0;
	s22 =	simm.s32 $0x0;
	v17 =	vand.u32 $0xFFFF0000, v18;
	v18 =	vshll.u32 v18, $0x10;
	v14 =	vld.idx.msk [tilespmem:v19+s18+$0x0], $0xffff  }
.LBB2_21:
0x1c7: {  	v19 =	vld [tilespmem:s23+$0xFFFFFD80];
	v15 =	vadd.f32 v17, v15;
	v16 =	vadd.f32 v18, v16  }
0x1c8: {  	s22 =	sadd.s32 $0xA, s22;
	v17 =	vand.u32 $0xFFFF0000, v12;
	v12 =	vshll.u32 v12, $0x10;
	v10 =	vld.idx.msk [tilespmem:v10+s18+$0x0], $0xffff  }
0x1c9: {  	p2 =	slt.u32 s22, $0x28;
	v18 =	vld [tilespmem:s23+$0xFFFFFE00];
	v15 =	vadd.f32 v17, v15;
	v12 =	vadd.f32 v12, v16  }
0x1ca: {  	v16 =	vand.u32 $0xFFFF0000, v13;
	v13 =	vshll.u32 v13, $0x10;
	v8 =	vld.idx.msk [tilespmem:v8+s18+$0x0], $0xffff  }
0x1cb: {  	v17 =	vld [tilespmem:s23+$0xFFFFFE80];
	v15 =	vadd.f32 v16, v15;
	v12 =	vadd.f32 v13, v12  }
0x1cc: {  	v13 =	vand.u32 $0xFFFF0000, v14;
	v14 =	vshll.u32 v14, $0x10;
	v9 =	vld.idx.msk [tilespmem:v9+s18+$0x0], $0xffff  }
0x1cd: {  	v16 =	vld [tilespmem:s23+$0xFFFFFF00];
	v13 =	vadd.f32 v13, v15;
	v12 =	vadd.f32 v14, v12  }
0x1ce: {  	v14 =	vand.u32 $0xFFFF0000, v10;
	v10 =	vshll.u32 v10, $0x10;
	v11 =	vld.idx.msk [tilespmem:v11+s18+$0x0], $0xffff  }
0x1cf: {  	v15 =	vld [tilespmem:s23+$0xFFFFFF80];
	v13 =	vadd.f32 v14, v13;
	v10 =	vadd.f32 v10, v12  }
0x1d0: {  	v14 =	vand.u32 $0xFFFF0000, v8;
	v8 =	vshll.u32 v8, $0x10;
	v12 =	vld.idx.msk [tilespmem:v19+s18+$0x0], $0xffff  }
0x1d1: {  	v19 =	vld [tilespmem:s23+$0x0];
	v13 =	vadd.f32 v14, v13;
	v8 =	vadd.f32 v8, v10  }
0x1d2: {  	v14 =	vld.idx.msk [tilespmem:v18+s18+$0x0], $0xffff;
	v18 =	vand.u32 $0xFFFF0000, v9;
	v9 =	vshll.u32 v9, $0x10  }
0x1d3: {  	v10 =	vld [tilespmem:s23+$0x80];
	v13 =	vadd.f32 v18, v13;
	v9 =	vadd.f32 v9, v8  }
0x1d4: {  	v18 =	vld.idx.msk [tilespmem:v17+s18+$0x0], $0xffff;
	v17 =	vand.u32 $0xFFFF0000, v11;
	v11 =	vshll.u32 v11, $0x10  }
0x1d5: {  	v8 =	vld [tilespmem:s23+$0x100];
	v13 =	vadd.f32 v17, v13;
	v9 =	vadd.f32 v11, v9  }
.Ltmp10:
0x1d6: {  	v11 =	vand.u32 $0xFFFF0000, v12;
	v17 =	vshll.u32 v12, $0x10;
	v12 =	vld.idx.msk [tilespmem:v16+s18+$0x0], $0xffff;
	(pc) =	sbr.rel @p2 .LBB2_21-.Ltmp10, $4  }
0x1d7: {  	v11 =	vadd.f32 v11, v13;
	v16 =	vadd.f32 v17, v9;
	v9 =	vld [tilespmem:s23+$0x180]  }
0x1d8: {  	v17 =	vand.u32 $0xFFFF0000, v14;
	v14 =	vshll.u32 v14, $0x10;
	v13 =	vld.idx.msk [tilespmem:v15+s18+$0x0], $0xffff  }
0x1d9: {  	v15 =	vadd.f32 v17, v11;
	v16 =	vadd.f32 v14, v16;
	v11 =	vld [tilespmem:s23+$0x200]  }
0x1da: {  	v17 =	vand.u32 $0xFFFF0000, v18;
	v18 =	vshll.u32 v18, $0x10;
	s23 =	sadd.s32 $0x500, s23;
	v14 =	vld.idx.msk [tilespmem:v19+s18+$0x0], $0xffff  }
0x1db: {  	_ =	sdelay $0x1  }
0x1dc: {  	v15 =	vadd.f32 v17, v15  }
0x1dd: {  	v16 =	vadd.f32 v18, v16;
	v52 =	vand.u32 $0xFFFF0000, v12  }
0x1de: {  	v53 =	vshll.u32 v12, $0x10;
	v10 =	vld.idx.msk [tilespmem:v10+s18+$0x0], $0xffff;
	v15 =	vadd.f32 v52, v15  }
0x1df: {  	v12 =	vadd.f32 v53, v16;
	v54 =	vand.u32 $0xFFFF0000, v13  }
0x1e0: {  	v8 =	vld.idx.msk [tilespmem:v8+s18+$0x0], $0xffff;
	v55 =	vshll.u32 v13, $0x10;
	v15 =	vadd.f32 v54, v15  }
0x1e1: {  	v12 =	vadd.f32 v55, v12;
	v56 =	vand.u32 $0xFFFF0000, v14  }
0x1e2: {  	v9 =	vld.idx.msk [tilespmem:v9+s18+$0x0], $0xffff;
	v57 =	vshll.u32 v14, $0x10;
	v13 =	vadd.f32 v56, v15  }
0x1e3: {  	v58 =	vand.u32 $0xFFFF0000, v10;
	v12 =	vadd.f32 v57, v12  }
0x1e4: {  	v11 =	vld.idx.msk [tilespmem:v11+s18+$0x0], $0xffff;
	v10 =	vshll.u32 v10, $0x10;
	v13 =	vadd.f32 v58, v13  }
0x1e5: {  	v59 =	vand.u32 $0xFFFF0000, v8;
	v10 =	vadd.f32 v10, v12  }
0x1e6: {  	v8 =	vshll.u32 v8, $0x10;
	v12 =	vadd.f32 v59, v13  }
0x1e7: {  	v60 =	vand.u32 $0xFFFF0000, v9;
	v8 =	vadd.f32 v8, v10  }
0x1e8: {  	v9 =	vshll.u32 v9, $0x10;
	v10 =	vadd.f32 v60, v12  }
0x1e9: {  	v62 =	vor.u32 $0xE0, v0;
	v61 =	vand.u32 $0xFFFF0000, v11;
	v8 =	vadd.f32 v9, v8  }
0x1ea: {  	v63 =	vor.u32 $0xE1, v0;
	v11 =	vshll.u32 v11, $0x10;
	v9 =	vadd.f32 v61, v10  }
0x1eb: {  	v8 =	vadd.f32 v11, v8  }
0x1ec: {  	v9 =	vmul.f32 $1.999999960e-02, v9  }
0x1ed: {  	s21 =	sadd.s32 $0x1, s21;
	v8 =	vmul.f32 $1.999999960e-02, v8  }
0x1ee: {  	p2 =	sne.s32 s21, s7;
	[tilespmem:v62+s19+$0x0] =	vst.idx.msk $0xffff, v9  }
.Ltmp11:
0x1ef: {  	[tilespmem:v63+s19+$0x0] =	vst.idx.msk $0xffff, v8;
	(pc) =	sbr.rel @p2 .LBB2_1-.Ltmp11, $4  }
0x1f0: {  	[hbm4b:s6+s2] =	stream.linear.scatter [tilespmem:s19], [sflag:$0x1], $0x100, $0x38;
	[tilespmem:$0x1F900] =	vst v63  }
0x1f1: {  	_ =	swait.ge [sflag:s9], $0x100  }
0x1f2: {  	[sflag:s9] =	ssyncset.done $0x0  }
0x1f3: {  	[sflag:s9] =	ssyncadd.s32 $0xFFFFFF00  }
0x1f4: {  	_ =	sfence.sel $0x180000  }
0x1f5: {  	[bflag:$0x0] =	sbarrier.arrive $0xFFFF  }
0x1f6: {  	_ =	strace $0x90000047  }
0x1f7: {  	s0 =	sadd.s32 @!p1 $0x100000, s0;
	[bflag:$0x2] =	sbarrier.arrive $0xFFFF  }
0x1f8: {  	[sflag:s0] =	ssyncadd.tile.s32 @!p1 $0x1;
	_ =	shalt  }
.Lfunc_end2:
_tile_overlayer_lowered:
.L_overlay_start_2:
0x1f9: {  	(tag) =	ssettag $0x2  }
0x1fa: {  	s0 =	rddreg [dreg:$0x0];
	s2 =	stileid.u32  }
0x1fb: {  	s1 =	rddreg [dreg:$0x1];
	p0 =	sne.s32 s2, $0x0  }
0x1fc: {  	s3 =	rddreg [dreg:$0x2];
	[bflag:$0x3] =	sbarrier.arrive $0xFFFF;
	s2 =	simm.s32 @!p0 $0x1C01  }
0x1fd: {  	[timem:s3], [sflag:s2] =	dma.local @!p0 [hbm:s0], s1  }
0x1fe: {  	s0 =	simm.s32 @!p0 $0x1  }
0x1ff: {  	_ =	swait.ge @!p0 [sflag:s0], s1  }
0x200: {  	s1 =	ssub.s32 @!p0 $0x0, s1;
	[sflag:s0] =	ssyncset.done @!p0 $0x0  }
0x201: {  	[sflag:s0] =	ssyncadd.s32 @!p0 s1  }
0x202: {  	[bflag:$0x3] =	sbarrier.arrive $0xFFFF  }
0x203: {  	_ =	shalt  }

</sc_bundles>
